<compile_context>
chip_gen: v7x
topology: tpu7x:2x2x1
jax: 0.10.2.dev20260603
libtpu: 0.0.44.dev20260713+nightly
codegen_flags: <defaults>
</compile_context>

<pallas_src>
import functools

import jax
import jax.numpy as jnp
from jax import lax
from jax.experimental import pallas as pl
from jax.experimental.pallas import tpu as pltpu, tpu_sc as plsc

_N = 100000
_E = 3200000
_WIDTH = 128
_DEPTH = 3

_BLK = 1024

_NC, _NS = 2, 16
_NW = _NC * _NS
_NPAD = 100352


def _sc_gather(table, idx, total, chunk, nchunks, out_dtype):
    mesh = plsc.VectorSubcoreMesh(core_axis_name="c", subcore_axis_name="s")

    @functools.partial(
        pl.kernel, mesh=mesh,
        out_type=jax.ShapeDtypeStruct((total,), out_dtype),
        scratch_types=[
            pltpu.VMEM((chunk,), jnp.int32),
            pltpu.VMEM((chunk,), out_dtype),
            pltpu.SemaphoreType.DMA,
        ],
    )
    def k(table_hbm, idx_hbm, out_hbm, idx_v, rows_v, sem):
        wid = lax.axis_index("s") * _NC + lax.axis_index("c")
        base = wid * (chunk * nchunks)

        def step(j, carry):
            off = base + j * chunk
            pltpu.sync_copy(idx_hbm.at[pl.ds(off, chunk)], idx_v)
            pltpu.async_copy(table_hbm.at[idx_v], rows_v, sem).wait()
            pltpu.sync_copy(rows_v, out_hbm.at[pl.ds(off, chunk)])
            return carry

        lax.fori_loop(0, nchunks, step, 0)

    return k(table, idx)


def _seg_body(blk, a_ref, b_ref, d_ref, h_ref, w_ref, o_ref, cvec_ref, cdst_ref):
    i = pl.program_id(0)

    @pl.when(i == 0)
    def _():
        cvec_ref[...] = jnp.full((_WIDTH, 1), jnp.inf, jnp.float32)
        cdst_ref[...] = jnp.full((1, 1), -1, jnp.int32)

    w = w_ref[...]
    u = w[:, 0:1]
    v = w[:, 1:2]
    c = w[:, 2:3]
    w2 = w[:, 3:4]
    b2 = w[0:1, 4:5]
    iso = w[0:1, 5:6]

    def rbf(t):
        return t.astype(jnp.bfloat16).astype(jnp.float32)

    hs = h_ref[0]
    a = hs * a_ref[0] + (1.0 - hs) * iso
    a = rbf(a)
    b = rbf(b_ref[0])
    d = d_ref[0]
    z = rbf(u) * a + rbf(v) * b

    off = 1
    while off < blk:
        zs = jnp.concatenate(
            [jnp.full((_WIDTH, off), jnp.inf, jnp.float32), z[:, :-off]], axis=1)
        ds = jnp.concatenate(
            [jnp.full((1, off), -1, jnp.int32), d[:, :-off]], axis=1)
        z = jnp.where(ds == d, jnp.minimum(z, zs), z)
        off *= 2

    z = jnp.where(d == cdst_ref[...], jnp.minimum(z, cvec_ref[...]), z)
    cvec_ref[...] = z[:, blk - 1:blk]
    cdst_ref[...] = d[:, blk - 1:blk]

    agg = jax.nn.relu(z + c)
    agg = agg.astype(jnp.bfloat16).astype(jnp.float32)
    o_ref[0] = jax.nn.relu(jnp.sum(agg * rbf(w2), axis=0, keepdims=True) + b2)


def _layer(a_s, attr3, dst3, hs3, wb, e, blk):
    nb = e // blk
    out = pl.pallas_call(
        functools.partial(_seg_body, blk),
        grid=(nb,),
        in_specs=[
            pl.BlockSpec((1, 1, blk), lambda i: (i, 0, 0)),
            pl.BlockSpec((1, 1, blk), lambda i: (i, 0, 0)),
            pl.BlockSpec((1, 1, blk), lambda i: (i, 0, 0)),
            pl.BlockSpec((1, 1, blk), lambda i: (i, 0, 0)),
            pl.BlockSpec((_WIDTH, 128), lambda i: (0, 0)),
        ],
        out_specs=pl.BlockSpec((1, 1, blk), lambda i: (i, 0, 0)),
        out_shape=jax.ShapeDtypeStruct((nb, 1, blk), jnp.float32),
        scratch_shapes=[
            pltpu.VMEM((_WIDTH, 1), jnp.float32),
            pltpu.VMEM((1, 1), jnp.int32),
        ],
    )(a_s.reshape(nb, 1, blk), attr3, dst3, hs3, wb)
    return out.reshape(e)


def _pack_weights(w1, b1, w2, b2, iso):
    wb = jnp.zeros((_WIDTH, 128), jnp.float32)
    wb = wb.at[:, 0].set(w1[:, 0])
    wb = wb.at[:, 1].set(w1[:, 1])
    wb = wb.at[:, 2].set(b1)
    wb = wb.at[:, 3].set(w2[0, :])
    wb = wb.at[0, 4].set(b2[0])
    wb = wb.at[0, 5].set(iso)
    return wb


def kernel(x, edge_index, edge_attr, W1s, b1s, W2s, b2s):
    src = edge_index[0]
    dst = edge_index[1]
    attr = edge_attr[:, 0]
    dst_s, src_s, attr_s = jax.lax.sort((dst, src, attr), num_keys=1)

    pos = jnp.full((_N,), -1, jnp.int32).at[dst_s].max(
        jnp.arange(_E, dtype=jnp.int32))
    has_in = pos >= 0
    p = jnp.maximum(pos, 0)

    ph = p * 2 + has_in.astype(jnp.int32)
    ph_s = _sc_gather(ph, src_s, _E, 10000, 10, jnp.int32)
    p_src_s = ph_s >> 1
    hs_f = (ph_s & 1).astype(jnp.float32)

    nb = _E // _BLK
    dst3 = dst_s.astype(jnp.int32).reshape(nb, 1, _BLK)
    attr3 = attr_s.reshape(nb, 1, _BLK)
    hs3 = hs_f.reshape(nb, 1, _BLK)
    ones3 = jnp.ones((nb, 1, _BLK), jnp.float32)

    a = _sc_gather(x[:, 0], src_s, _E, 10000, 10, jnp.float32)
    res = None
    for l in range(_DEPTH):
        iso_prev = jax.nn.relu(b2s[l - 1][0]) if l > 0 else 0.0
        wb = _pack_weights(W1s[l], b1s[l], W2s[l], b2s[l], iso_prev)
        h3 = ones3 if l == 0 else hs3
        out_val = _layer(a, attr3, dst3, h3, wb, _E, _BLK)
        iso = jax.nn.relu(b2s[l][0])
        if l < _DEPTH - 1:
            a = _sc_gather(out_val, p_src_s, _E, 10000, 10, jnp.float32)
        else:
            p_pad = jnp.pad(p, (0, _NPAD - _N))
            outf = _sc_gather(out_val, p_pad, _NPAD, 3136, 1, jnp.float32)[:_N]
            res = jnp.where(has_in, outf, iso)[:, None]
    return res

# --- scband reference (transcript-rebuilt; emitter-appended) ---
"""Pipeline reference for scband-bfmodel-67207648248458 (READ-ONLY COPY).

The authoritative reference and input builder live on the scoring server;
editing this copy changes nothing except your own understanding.
"""

import jax, jax.numpy as jnp
import numpy as np

N = 100000
E = 3200000
WIDTH = 128
DEPTH = 3


def setup_inputs(seed: int = 0) -> dict:
    key = jax.random.key(seed)
    ks = jax.random.split(key, 3 + 4 * DEPTH)
    x = jax.random.normal(ks[0], (N, 1), dtype=jnp.float32)
    edge_index = jax.random.randint(ks[1], (2, E), 0, N, dtype=jnp.int32)
    edge_attr = jax.random.uniform(ks[2], (E, 1), dtype=jnp.float32)
    # Per-layer params: W_1 Linear(2 -> WIDTH, bias), W_2 Linear(WIDTH -> 1, bias)
    lim1 = 1.0 / np.sqrt(2.0)
    lim2 = 1.0 / np.sqrt(WIDTH)
    W1s = jax.random.uniform(ks[3], (DEPTH, WIDTH, 2), minval=-lim1, maxval=lim1, dtype=jnp.float32)
    b1s = jax.random.uniform(ks[4], (DEPTH, WIDTH), minval=-lim1, maxval=lim1, dtype=jnp.float32)
    W2s = jax.random.uniform(ks[5], (DEPTH, 1, WIDTH), minval=-lim2, maxval=lim2, dtype=jnp.float32)
    b2s = jax.random.uniform(ks[6], (DEPTH, 1), minval=-lim2, maxval=lim2, dtype=jnp.float32)
    return {"x": x, "edge_index": edge_index, "edge_attr": edge_attr,
            "W1s": W1s, "b1s": b1s, "W2s": W2s, "b2s": b2s}


def reference(x, edge_index, edge_attr, W1s, b1s, W2s, b2s):
    src = edge_index[0]
    dst = edge_index[1]
    ones = jnp.ones((E,), dtype=jnp.float32)
    counts = jax.ops.segment_sum(ones, dst, num_segments=N)
    has_in = (counts > 0)[:, None]
    for l in range(DEPTH):
        x_j = jnp.take(x, src, axis=0)                     # gather source node feats [E,1]
        msg_in = jnp.concatenate([x_j, edge_attr], axis=-1)  # [E,2]
        m = jax.nn.relu(msg_in @ W1s[l].T + b1s[l])        # [E,WIDTH]
        agg = jax.ops.segment_min(m, dst, num_segments=N)  # scatter-min aggregation [N,WIDTH]
        # PyG leaves isolated nodes at 0 (zero-initialized output); segment_min yields +inf
        agg = jnp.where(has_in, agg, 0.0)
        x = jax.nn.relu(agg @ W2s[l].T + b2s[l])           # [N,1]
    return x

if __name__ == "__main__":
    import jax
    _d = setup_inputs()
    print(jax.jit(kernel)(*tuple(_d.values())))

</pallas_src>

<mosaic_0001>
#map = affine_map<(d0, d1) -> (0)>
module attributes {stable_mosaic.version = 14 : i64} {
  func.func @k(%arg0: i32, %arg1: i32, %arg2: memref<100000xf32, #tpu.memory_space<hbm>>, %arg3: memref<3200000xi32, #tpu.memory_space<hbm>>, %arg4: memref<3200000xf32, #tpu.memory_space<hbm>>, %arg5: memref<10000xi32, #tpu.memory_space<vmem>>, %arg6: memref<10000xf32, #tpu.memory_space<vmem>>, %arg7: memref<!tpu.dma_semaphore, #tpu.memory_space<semaphore_mem>>) attributes {dimension_semantics = [#tpu.dimension_semantics<core_parallel>, #tpu.dimension_semantics<subcore_parallel>], iteration_bounds = array<i64: 2, 16>, scalar_prefetch = 0 : i64, scratch_operands = 3 : i64, tpu.core_type = #tpu.core_type<sc_vector_subcore>, window_params = [{transform_indices = #map}, {transform_indices = #map}, {transform_indices = #map}]} {
    %mul3A = arith.constant 2 : i32
    %mul3A_0 = arith.muli %arg1, %mul3A : i32
    %add3A = arith.addi %mul3A_0, %arg0 : i32
    %mul3A_1 = arith.constant 100000 : i32
    %mul3A_2 = arith.muli %add3A, %mul3A_1 : i32
    %scan3A = arith.constant 0 : i32
    %scan3A_3 = arith.constant 0 : i32
    %scan3A_4 = arith.constant 10 : i32
    %scan3A_5 = arith.addi %scan3A_3, %scan3A_4 : i32
    %scan3A_6 = arith.constant 1 : i32
    scf.for %scan3A_8 = %scan3A_3 to %scan3A_5 step %scan3A_6  : i32 {
      %mul3A_9 = arith.constant 10000 : i32
      %mul3A_10 = arith.muli %scan3A_8, %mul3A_9 : i32
      %add3A_11 = arith.addi %mul3A_2, %mul3A_10 : i32
      "tpu.region"() ({
        %run_scoped3A = tpu.sem_alloc : memref<!tpu.dma_semaphore, #tpu.memory_space<semaphore_mem>>
        %dma_start3A_14 = tpu.memref_slice %arg3[%add3A_11] : memref<3200000xi32, #tpu.memory_space<hbm>> -> memref<10000xi32, #tpu.memory_space<hbm>>
        %dma_start3A_15 = tpu.memref_slice %arg3[%add3A_11] : memref<3200000xi32, #tpu.memory_space<hbm>> -> memref<10000xi32, #tpu.memory_space<hbm>>
        tpu.enqueue_dma source(%dma_start3A_15 : memref<10000xi32, #tpu.memory_space<hbm>>) target(%arg5 : memref<10000xi32, #tpu.memory_space<vmem>>) target_semaphore(%run_scoped3A : memref<!tpu.dma_semaphore, #tpu.memory_space<semaphore_mem>>)
        %dma_wait3A_16 = tpu.memref_slice %arg3[%add3A_11] : memref<3200000xi32, #tpu.memory_space<hbm>> -> memref<10000xi32, #tpu.memory_space<hbm>>
        %dma_wait3A_17 = tpu.memref_slice %arg3[%add3A_11] : memref<3200000xi32, #tpu.memory_space<hbm>> -> memref<10000xi32, #tpu.memory_space<hbm>>
        tpu.wait_dma2 semaphore(%run_scoped3A : memref<!tpu.dma_semaphore, #tpu.memory_space<semaphore_mem>>) src(%dma_wait3A_17 : memref<10000xi32, #tpu.memory_space<hbm>>) dst(%arg5 : memref<10000xi32, #tpu.memory_space<vmem>>)
        tpu.yield
      }) : () -> ()
      %dma_start3A = arith.constant 0 : i32
      %dma_start3A_12 = tpu.memref_slice %arg2[%dma_start3A] : memref<100000xf32, #tpu.memory_space<hbm>> -> memref<100000xf32, #tpu.memory_space<hbm>>
      tpu.enqueue_indirect_dma source(%dma_start3A_12 : memref<100000xf32, #tpu.memory_space<hbm>>) target(%arg6 : memref<10000xf32, #tpu.memory_space<vmem>>) offsets(%arg5 : memref<10000xi32, #tpu.memory_space<vmem>>) semaphore(%arg7 : memref<!tpu.dma_semaphore, #tpu.memory_space<semaphore_mem>>)
      %dma_wait3A = arith.constant 0 : i32
      %dma_wait3A_13 = tpu.memref_slice %arg2[%dma_wait3A] : memref<100000xf32, #tpu.memory_space<hbm>> -> memref<100000xf32, #tpu.memory_space<hbm>>
      tpu.wait_indirect_dma semaphore(%arg7 : memref<!tpu.dma_semaphore, #tpu.memory_space<semaphore_mem>>) src(%dma_wait3A_13 : memref<100000xf32, #tpu.memory_space<hbm>>) dst(%arg6 : memref<10000xf32, #tpu.memory_space<vmem>>)
      "tpu.region"() ({
        %run_scoped3A = tpu.sem_alloc : memref<!tpu.dma_semaphore, #tpu.memory_space<semaphore_mem>>
        %dma_start3A_14 = tpu.memref_slice %arg4[%add3A_11] : memref<3200000xf32, #tpu.memory_space<hbm>> -> memref<10000xf32, #tpu.memory_space<hbm>>
        %dma_start3A_15 = tpu.memref_slice %arg4[%add3A_11] : memref<3200000xf32, #tpu.memory_space<hbm>> -> memref<10000xf32, #tpu.memory_space<hbm>>
        tpu.enqueue_dma source(%arg6 : memref<10000xf32, #tpu.memory_space<vmem>>) target(%dma_start3A_15 : memref<10000xf32, #tpu.memory_space<hbm>>) target_semaphore(%run_scoped3A : memref<!tpu.dma_semaphore, #tpu.memory_space<semaphore_mem>>)
        %dma_wait3A_16 = tpu.memref_slice %arg4[%add3A_11] : memref<3200000xf32, #tpu.memory_space<hbm>> -> memref<10000xf32, #tpu.memory_space<hbm>>
        %dma_wait3A_17 = tpu.memref_slice %arg4[%add3A_11] : memref<3200000xf32, #tpu.memory_space<hbm>> -> memref<10000xf32, #tpu.memory_space<hbm>>
        tpu.wait_dma2 semaphore(%run_scoped3A : memref<!tpu.dma_semaphore, #tpu.memory_space<semaphore_mem>>) src(%arg6 : memref<10000xf32, #tpu.memory_space<vmem>>) dst(%dma_wait3A_17 : memref<10000xf32, #tpu.memory_space<hbm>>)
        tpu.yield
      }) : () -> ()
    }
    %scan3A_7 = arith.constant 10 : i32
    return
  }
}

#map = affine_map<(d0, d1) -> (0)>
module attributes {stable_mosaic.version = 14 : i64} {
  func.func @k(%arg0: i32, %arg1: i32, %arg2: memref<3200000xf32, #tpu.memory_space<hbm>>, %arg3: memref<3200000xi32, #tpu.memory_space<hbm>>, %arg4: memref<3200000xf32, #tpu.memory_space<hbm>>, %arg5: memref<10000xi32, #tpu.memory_space<vmem>>, %arg6: memref<10000xf32, #tpu.memory_space<vmem>>, %arg7: memref<!tpu.dma_semaphore, #tpu.memory_space<semaphore_mem>>) attributes {dimension_semantics = [#tpu.dimension_semantics<core_parallel>, #tpu.dimension_semantics<subcore_parallel>], iteration_bounds = array<i64: 2, 16>, scalar_prefetch = 0 : i64, scratch_operands = 3 : i64, tpu.core_type = #tpu.core_type<sc_vector_subcore>, window_params = [{transform_indices = #map}, {transform_indices = #map}, {transform_indices = #map}]} {
    %mul3A = arith.constant 2 : i32
    %mul3A_0 = arith.muli %arg1, %mul3A : i32
    %add3A = arith.addi %mul3A_0, %arg0 : i32
    %mul3A_1 = arith.constant 100000 : i32
    %mul3A_2 = arith.muli %add3A, %mul3A_1 : i32
    %scan3A = arith.constant 0 : i32
    %scan3A_3 = arith.constant 0 : i32
    %scan3A_4 = arith.constant 10 : i32
    %scan3A_5 = arith.addi %scan3A_3, %scan3A_4 : i32
    %scan3A_6 = arith.constant 1 : i32
    scf.for %scan3A_8 = %scan3A_3 to %scan3A_5 step %scan3A_6  : i32 {
      %mul3A_9 = arith.constant 10000 : i32
      %mul3A_10 = arith.muli %scan3A_8, %mul3A_9 : i32
      %add3A_11 = arith.addi %mul3A_2, %mul3A_10 : i32
      "tpu.region"() ({
        %run_scoped3A = tpu.sem_alloc : memref<!tpu.dma_semaphore, #tpu.memory_space<semaphore_mem>>
        %dma_start3A_14 = tpu.memref_slice %arg3[%add3A_11] : memref<3200000xi32, #tpu.memory_space<hbm>> -> memref<10000xi32, #tpu.memory_space<hbm>>
        %dma_start3A_15 = tpu.memref_slice %arg3[%add3A_11] : memref<3200000xi32, #tpu.memory_space<hbm>> -> memref<10000xi32, #tpu.memory_space<hbm>>
        tpu.enqueue_dma source(%dma_start3A_15 : memref<10000xi32, #tpu.memory_space<hbm>>) target(%arg5 : memref<10000xi32, #tpu.memory_space<vmem>>) target_semaphore(%run_scoped3A : memref<!tpu.dma_semaphore, #tpu.memory_space<semaphore_mem>>)
        %dma_wait3A_16 = tpu.memref_slice %arg3[%add3A_11] : memref<3200000xi32, #tpu.memory_space<hbm>> -> memref<10000xi32, #tpu.memory_space<hbm>>
        %dma_wait3A_17 = tpu.memref_slice %arg3[%add3A_11] : memref<3200000xi32, #tpu.memory_space<hbm>> -> memref<10000xi32, #tpu.memory_space<hbm>>
        tpu.wait_dma2 semaphore(%run_scoped3A : memref<!tpu.dma_semaphore, #tpu.memory_space<semaphore_mem>>) src(%dma_wait3A_17 : memref<10000xi32, #tpu.memory_space<hbm>>) dst(%arg5 : memref<10000xi32, #tpu.memory_space<vmem>>)
        tpu.yield
      }) : () -> ()
      %dma_start3A = arith.constant 0 : i32
      %dma_start3A_12 = tpu.memref_slice %arg2[%dma_start3A] : memref<3200000xf32, #tpu.memory_space<hbm>> -> memref<3200000xf32, #tpu.memory_space<hbm>>
      tpu.enqueue_indirect_dma source(%dma_start3A_12 : memref<3200000xf32, #tpu.memory_space<hbm>>) target(%arg6 : memref<10000xf32, #tpu.memory_space<vmem>>) offsets(%arg5 : memref<10000xi32, #tpu.memory_space<vmem>>) semaphore(%arg7 : memref<!tpu.dma_semaphore, #tpu.memory_space<semaphore_mem>>)
      %dma_wait3A = arith.constant 0 : i32
      %dma_wait3A_13 = tpu.memref_slice %arg2[%dma_wait3A] : memref<3200000xf32, #tpu.memory_space<hbm>> -> memref<3200000xf32, #tpu.memory_space<hbm>>
      tpu.wait_indirect_dma semaphore(%arg7 : memref<!tpu.dma_semaphore, #tpu.memory_space<semaphore_mem>>) src(%dma_wait3A_13 : memref<3200000xf32, #tpu.memory_space<hbm>>) dst(%arg6 : memref<10000xf32, #tpu.memory_space<vmem>>)
      "tpu.region"() ({
        %run_scoped3A = tpu.sem_alloc : memref<!tpu.dma_semaphore, #tpu.memory_space<semaphore_mem>>
        %dma_start3A_14 = tpu.memref_slice %arg4[%add3A_11] : memref<3200000xf32, #tpu.memory_space<hbm>> -> memref<10000xf32, #tpu.memory_space<hbm>>
        %dma_start3A_15 = tpu.memref_slice %arg4[%add3A_11] : memref<3200000xf32, #tpu.memory_space<hbm>> -> memref<10000xf32, #tpu.memory_space<hbm>>
        tpu.enqueue_dma source(%arg6 : memref<10000xf32, #tpu.memory_space<vmem>>) target(%dma_start3A_15 : memref<10000xf32, #tpu.memory_space<hbm>>) target_semaphore(%run_scoped3A : memref<!tpu.dma_semaphore, #tpu.memory_space<semaphore_mem>>)
        %dma_wait3A_16 = tpu.memref_slice %arg4[%add3A_11] : memref<3200000xf32, #tpu.memory_space<hbm>> -> memref<10000xf32, #tpu.memory_space<hbm>>
        %dma_wait3A_17 = tpu.memref_slice %arg4[%add3A_11] : memref<3200000xf32, #tpu.memory_space<hbm>> -> memref<10000xf32, #tpu.memory_space<hbm>>
        tpu.wait_dma2 semaphore(%run_scoped3A : memref<!tpu.dma_semaphore, #tpu.memory_space<semaphore_mem>>) src(%arg6 : memref<10000xf32, #tpu.memory_space<vmem>>) dst(%dma_wait3A_17 : memref<10000xf32, #tpu.memory_space<hbm>>)
        tpu.yield
      }) : () -> ()
    }
    %scan3A_7 = arith.constant 10 : i32
    return
  }
}

#map = affine_map<(d0, d1) -> (0)>
module attributes {stable_mosaic.version = 14 : i64} {
  func.func @k(%arg0: i32, %arg1: i32, %arg2: memref<3200000xf32, #tpu.memory_space<hbm>>, %arg3: memref<3200000xi32, #tpu.memory_space<hbm>>, %arg4: memref<3200000xf32, #tpu.memory_space<hbm>>, %arg5: memref<10000xi32, #tpu.memory_space<vmem>>, %arg6: memref<10000xf32, #tpu.memory_space<vmem>>, %arg7: memref<!tpu.dma_semaphore, #tpu.memory_space<semaphore_mem>>) attributes {dimension_semantics = [#tpu.dimension_semantics<core_parallel>, #tpu.dimension_semantics<subcore_parallel>], iteration_bounds = array<i64: 2, 16>, scalar_prefetch = 0 : i64, scratch_operands = 3 : i64, tpu.core_type = #tpu.core_type<sc_vector_subcore>, window_params = [{transform_indices = #map}, {transform_indices = #map}, {transform_indices = #map}]} {
    %mul3A = arith.constant 2 : i32
    %mul3A_0 = arith.muli %arg1, %mul3A : i32
    %add3A = arith.addi %mul3A_0, %arg0 : i32
    %mul3A_1 = arith.constant 100000 : i32
    %mul3A_2 = arith.muli %add3A, %mul3A_1 : i32
    %scan3A = arith.constant 0 : i32
    %scan3A_3 = arith.constant 0 : i32
    %scan3A_4 = arith.constant 10 : i32
    %scan3A_5 = arith.addi %scan3A_3, %scan3A_4 : i32
    %scan3A_6 = arith.constant 1 : i32
    scf.for %scan3A_8 = %scan3A_3 to %scan3A_5 step %scan3A_6  : i32 {
      %mul3A_9 = arith.constant 10000 : i32
      %mul3A_10 = arith.muli %scan3A_8, %mul3A_9 : i32
      %add3A_11 = arith.addi %mul3A_2, %mul3A_10 : i32
      "tpu.region"() ({
        %run_scoped3A = tpu.sem_alloc : memref<!tpu.dma_semaphore, #tpu.memory_space<semaphore_mem>>
        %dma_start3A_14 = tpu.memref_slice %arg3[%add3A_11] : memref<3200000xi32, #tpu.memory_space<hbm>> -> memref<10000xi32, #tpu.memory_space<hbm>>
        %dma_start3A_15 = tpu.memref_slice %arg3[%add3A_11] : memref<3200000xi32, #tpu.memory_space<hbm>> -> memref<10000xi32, #tpu.memory_space<hbm>>
        tpu.enqueue_dma source(%dma_start3A_15 : memref<10000xi32, #tpu.memory_space<hbm>>) target(%arg5 : memref<10000xi32, #tpu.memory_space<vmem>>) target_semaphore(%run_scoped3A : memref<!tpu.dma_semaphore, #tpu.memory_space<semaphore_mem>>)
        %dma_wait3A_16 = tpu.memref_slice %arg3[%add3A_11] : memref<3200000xi32, #tpu.memory_space<hbm>> -> memref<10000xi32, #tpu.memory_space<hbm>>
        %dma_wait3A_17 = tpu.memref_slice %arg3[%add3A_11] : memref<3200000xi32, #tpu.memory_space<hbm>> -> memref<10000xi32, #tpu.memory_space<hbm>>
        tpu.wait_dma2 semaphore(%run_scoped3A : memref<!tpu.dma_semaphore, #tpu.memory_space<semaphore_mem>>) src(%dma_wait3A_17 : memref<10000xi32, #tpu.memory_space<hbm>>) dst(%arg5 : memref<10000xi32, #tpu.memory_space<vmem>>)
        tpu.yield
      }) : () -> ()
      %dma_start3A = arith.constant 0 : i32
      %dma_start3A_12 = tpu.memref_slice %arg2[%dma_start3A] : memref<3200000xf32, #tpu.memory_space<hbm>> -> memref<3200000xf32, #tpu.memory_space<hbm>>
      tpu.enqueue_indirect_dma source(%dma_start3A_12 : memref<3200000xf32, #tpu.memory_space<hbm>>) target(%arg6 : memref<10000xf32, #tpu.memory_space<vmem>>) offsets(%arg5 : memref<10000xi32, #tpu.memory_space<vmem>>) semaphore(%arg7 : memref<!tpu.dma_semaphore, #tpu.memory_space<semaphore_mem>>)
      %dma_wait3A = arith.constant 0 : i32
      %dma_wait3A_13 = tpu.memref_slice %arg2[%dma_wait3A] : memref<3200000xf32, #tpu.memory_space<hbm>> -> memref<3200000xf32, #tpu.memory_space<hbm>>
      tpu.wait_indirect_dma semaphore(%arg7 : memref<!tpu.dma_semaphore, #tpu.memory_space<semaphore_mem>>) src(%dma_wait3A_13 : memref<3200000xf32, #tpu.memory_space<hbm>>) dst(%arg6 : memref<10000xf32, #tpu.memory_space<vmem>>)
      "tpu.region"() ({
        %run_scoped3A = tpu.sem_alloc : memref<!tpu.dma_semaphore, #tpu.memory_space<semaphore_mem>>
        %dma_start3A_14 = tpu.memref_slice %arg4[%add3A_11] : memref<3200000xf32, #tpu.memory_space<hbm>> -> memref<10000xf32, #tpu.memory_space<hbm>>
        %dma_start3A_15 = tpu.memref_slice %arg4[%add3A_11] : memref<3200000xf32, #tpu.memory_space<hbm>> -> memref<10000xf32, #tpu.memory_space<hbm>>
        tpu.enqueue_dma source(%arg6 : memref<10000xf32, #tpu.memory_space<vmem>>) target(%dma_start3A_15 : memref<10000xf32, #tpu.memory_space<hbm>>) target_semaphore(%run_scoped3A : memref<!tpu.dma_semaphore, #tpu.memory_space<semaphore_mem>>)
        %dma_wait3A_16 = tpu.memref_slice %arg4[%add3A_11] : memref<3200000xf32, #tpu.memory_space<hbm>> -> memref<10000xf32, #tpu.memory_space<hbm>>
        %dma_wait3A_17 = tpu.memref_slice %arg4[%add3A_11] : memref<3200000xf32, #tpu.memory_space<hbm>> -> memref<10000xf32, #tpu.memory_space<hbm>>
        tpu.wait_dma2 semaphore(%run_scoped3A : memref<!tpu.dma_semaphore, #tpu.memory_space<semaphore_mem>>) src(%arg6 : memref<10000xf32, #tpu.memory_space<vmem>>) dst(%dma_wait3A_17 : memref<10000xf32, #tpu.memory_space<hbm>>)
        tpu.yield
      }) : () -> ()
    }
    %scan3A_7 = arith.constant 10 : i32
    return
  }
}

#map = affine_map<(d0, d1) -> (0)>
module attributes {stable_mosaic.version = 14 : i64} {
  func.func @k(%arg0: i32, %arg1: i32, %arg2: memref<100000xi32, #tpu.memory_space<hbm>>, %arg3: memref<3200000xi32, #tpu.memory_space<hbm>>, %arg4: memref<3200000xi32, #tpu.memory_space<hbm>>, %arg5: memref<10000xi32, #tpu.memory_space<vmem>>, %arg6: memref<10000xi32, #tpu.memory_space<vmem>>, %arg7: memref<!tpu.dma_semaphore, #tpu.memory_space<semaphore_mem>>) attributes {dimension_semantics = [#tpu.dimension_semantics<core_parallel>, #tpu.dimension_semantics<subcore_parallel>], iteration_bounds = array<i64: 2, 16>, scalar_prefetch = 0 : i64, scratch_operands = 3 : i64, tpu.core_type = #tpu.core_type<sc_vector_subcore>, window_params = [{transform_indices = #map}, {transform_indices = #map}, {transform_indices = #map}]} {
    %mul3A = arith.constant 2 : i32
    %mul3A_0 = arith.muli %arg1, %mul3A : i32
    %add3A = arith.addi %mul3A_0, %arg0 : i32
    %mul3A_1 = arith.constant 100000 : i32
    %mul3A_2 = arith.muli %add3A, %mul3A_1 : i32
    %scan3A = arith.constant 0 : i32
    %scan3A_3 = arith.constant 0 : i32
    %scan3A_4 = arith.constant 10 : i32
    %scan3A_5 = arith.addi %scan3A_3, %scan3A_4 : i32
    %scan3A_6 = arith.constant 1 : i32
    scf.for %scan3A_8 = %scan3A_3 to %scan3A_5 step %scan3A_6  : i32 {
      %mul3A_9 = arith.constant 10000 : i32
      %mul3A_10 = arith.muli %scan3A_8, %mul3A_9 : i32
      %add3A_11 = arith.addi %mul3A_2, %mul3A_10 : i32
      "tpu.region"() ({
        %run_scoped3A = tpu.sem_alloc : memref<!tpu.dma_semaphore, #tpu.memory_space<semaphore_mem>>
        %dma_start3A_14 = tpu.memref_slice %arg3[%add3A_11] : memref<3200000xi32, #tpu.memory_space<hbm>> -> memref<10000xi32, #tpu.memory_space<hbm>>
        %dma_start3A_15 = tpu.memref_slice %arg3[%add3A_11] : memref<3200000xi32, #tpu.memory_space<hbm>> -> memref<10000xi32, #tpu.memory_space<hbm>>
        tpu.enqueue_dma source(%dma_start3A_15 : memref<10000xi32, #tpu.memory_space<hbm>>) target(%arg5 : memref<10000xi32, #tpu.memory_space<vmem>>) target_semaphore(%run_scoped3A : memref<!tpu.dma_semaphore, #tpu.memory_space<semaphore_mem>>)
        %dma_wait3A_16 = tpu.memref_slice %arg3[%add3A_11] : memref<3200000xi32, #tpu.memory_space<hbm>> -> memref<10000xi32, #tpu.memory_space<hbm>>
        %dma_wait3A_17 = tpu.memref_slice %arg3[%add3A_11] : memref<3200000xi32, #tpu.memory_space<hbm>> -> memref<10000xi32, #tpu.memory_space<hbm>>
        tpu.wait_dma2 semaphore(%run_scoped3A : memref<!tpu.dma_semaphore, #tpu.memory_space<semaphore_mem>>) src(%dma_wait3A_17 : memref<10000xi32, #tpu.memory_space<hbm>>) dst(%arg5 : memref<10000xi32, #tpu.memory_space<vmem>>)
        tpu.yield
      }) : () -> ()
      %dma_start3A = arith.constant 0 : i32
      %dma_start3A_12 = tpu.memref_slice %arg2[%dma_start3A] : memref<100000xi32, #tpu.memory_space<hbm>> -> memref<100000xi32, #tpu.memory_space<hbm>>
      tpu.enqueue_indirect_dma source(%dma_start3A_12 : memref<100000xi32, #tpu.memory_space<hbm>>) target(%arg6 : memref<10000xi32, #tpu.memory_space<vmem>>) offsets(%arg5 : memref<10000xi32, #tpu.memory_space<vmem>>) semaphore(%arg7 : memref<!tpu.dma_semaphore, #tpu.memory_space<semaphore_mem>>)
      %dma_wait3A = arith.constant 0 : i32
      %dma_wait3A_13 = tpu.memref_slice %arg2[%dma_wait3A] : memref<100000xi32, #tpu.memory_space<hbm>> -> memref<100000xi32, #tpu.memory_space<hbm>>
      tpu.wait_indirect_dma semaphore(%arg7 : memref<!tpu.dma_semaphore, #tpu.memory_space<semaphore_mem>>) src(%dma_wait3A_13 : memref<100000xi32, #tpu.memory_space<hbm>>) dst(%arg6 : memref<10000xi32, #tpu.memory_space<vmem>>)
      "tpu.region"() ({
        %run_scoped3A = tpu.sem_alloc : memref<!tpu.dma_semaphore, #tpu.memory_space<semaphore_mem>>
        %dma_start3A_14 = tpu.memref_slice %arg4[%add3A_11] : memref<3200000xi32, #tpu.memory_space<hbm>> -> memref<10000xi32, #tpu.memory_space<hbm>>
        %dma_start3A_15 = tpu.memref_slice %arg4[%add3A_11] : memref<3200000xi32, #tpu.memory_space<hbm>> -> memref<10000xi32, #tpu.memory_space<hbm>>
        tpu.enqueue_dma source(%arg6 : memref<10000xi32, #tpu.memory_space<vmem>>) target(%dma_start3A_15 : memref<10000xi32, #tpu.memory_space<hbm>>) target_semaphore(%run_scoped3A : memref<!tpu.dma_semaphore, #tpu.memory_space<semaphore_mem>>)
        %dma_wait3A_16 = tpu.memref_slice %arg4[%add3A_11] : memref<3200000xi32, #tpu.memory_space<hbm>> -> memref<10000xi32, #tpu.memory_space<hbm>>
        %dma_wait3A_17 = tpu.memref_slice %arg4[%add3A_11] : memref<3200000xi32, #tpu.memory_space<hbm>> -> memref<10000xi32, #tpu.memory_space<hbm>>
        tpu.wait_dma2 semaphore(%run_scoped3A : memref<!tpu.dma_semaphore, #tpu.memory_space<semaphore_mem>>) src(%arg6 : memref<10000xi32, #tpu.memory_space<vmem>>) dst(%dma_wait3A_17 : memref<10000xi32, #tpu.memory_space<hbm>>)
        tpu.yield
      }) : () -> ()
    }
    %scan3A_7 = arith.constant 10 : i32
    return
  }
}

#map = affine_map<(d0, d1) -> (0)>
module attributes {stable_mosaic.version = 14 : i64} {
  func.func @k(%arg0: i32, %arg1: i32, %arg2: memref<3200000xf32, #tpu.memory_space<hbm>>, %arg3: memref<100352xi32, #tpu.memory_space<hbm>>, %arg4: memref<100352xf32, #tpu.memory_space<hbm>>, %arg5: memref<3136xi32, #tpu.memory_space<vmem>>, %arg6: memref<3136xf32, #tpu.memory_space<vmem>>, %arg7: memref<!tpu.dma_semaphore, #tpu.memory_space<semaphore_mem>>) attributes {dimension_semantics = [#tpu.dimension_semantics<core_parallel>, #tpu.dimension_semantics<subcore_parallel>], iteration_bounds = array<i64: 2, 16>, scalar_prefetch = 0 : i64, scratch_operands = 3 : i64, tpu.core_type = #tpu.core_type<sc_vector_subcore>, window_params = [{transform_indices = #map}, {transform_indices = #map}, {transform_indices = #map}]} {
    %mul3A = arith.constant 2 : i32
    %mul3A_0 = arith.muli %arg1, %mul3A : i32
    %add3A = arith.addi %mul3A_0, %arg0 : i32
    %mul3A_1 = arith.constant 3136 : i32
    %mul3A_2 = arith.muli %add3A, %mul3A_1 : i32
    %scan3A = arith.constant 0 : i32
    %scan3A_3 = arith.constant 0 : i32
    %mul3A_4 = arith.constant 3136 : i32
    %mul3A_5 = arith.muli %scan3A_3, %mul3A_4 : i32
    %add3A_6 = arith.addi %mul3A_2, %mul3A_5 : i32
    "tpu.region"() ({
      %run_scoped3A = tpu.sem_alloc : memref<!tpu.dma_semaphore, #tpu.memory_space<semaphore_mem>>
      %dma_start3A_10 = tpu.memref_slice %arg3[%add3A_6] : memref<100352xi32, #tpu.memory_space<hbm>> -> memref<3136xi32, #tpu.memory_space<hbm>>
      %dma_start3A_11 = tpu.memref_slice %arg3[%add3A_6] : memref<100352xi32, #tpu.memory_space<hbm>> -> memref<3136xi32, #tpu.memory_space<hbm>>
      tpu.enqueue_dma source(%dma_start3A_11 : memref<3136xi32, #tpu.memory_space<hbm>>) target(%arg5 : memref<3136xi32, #tpu.memory_space<vmem>>) target_semaphore(%run_scoped3A : memref<!tpu.dma_semaphore, #tpu.memory_space<semaphore_mem>>)
      %dma_wait3A_12 = tpu.memref_slice %arg3[%add3A_6] : memref<100352xi32, #tpu.memory_space<hbm>> -> memref<3136xi32, #tpu.memory_space<hbm>>
      %dma_wait3A_13 = tpu.memref_slice %arg3[%add3A_6] : memref<100352xi32, #tpu.memory_space<hbm>> -> memref<3136xi32, #tpu.memory_space<hbm>>
      tpu.wait_dma2 semaphore(%run_scoped3A : memref<!tpu.dma_semaphore, #tpu.memory_space<semaphore_mem>>) src(%dma_wait3A_13 : memref<3136xi32, #tpu.memory_space<hbm>>) dst(%arg5 : memref<3136xi32, #tpu.memory_space<vmem>>)
      tpu.yield
    }) : () -> ()
    %dma_start3A = arith.constant 0 : i32
    %dma_start3A_7 = tpu.memref_slice %arg2[%dma_start3A] : memref<3200000xf32, #tpu.memory_space<hbm>> -> memref<3200000xf32, #tpu.memory_space<hbm>>
    tpu.enqueue_indirect_dma source(%dma_start3A_7 : memref<3200000xf32, #tpu.memory_space<hbm>>) target(%arg6 : memref<3136xf32, #tpu.memory_space<vmem>>) offsets(%arg5 : memref<3136xi32, #tpu.memory_space<vmem>>) semaphore(%arg7 : memref<!tpu.dma_semaphore, #tpu.memory_space<semaphore_mem>>)
    %dma_wait3A = arith.constant 0 : i32
    %dma_wait3A_8 = tpu.memref_slice %arg2[%dma_wait3A] : memref<3200000xf32, #tpu.memory_space<hbm>> -> memref<3200000xf32, #tpu.memory_space<hbm>>
    tpu.wait_indirect_dma semaphore(%arg7 : memref<!tpu.dma_semaphore, #tpu.memory_space<semaphore_mem>>) src(%dma_wait3A_8 : memref<3200000xf32, #tpu.memory_space<hbm>>) dst(%arg6 : memref<3136xf32, #tpu.memory_space<vmem>>)
    "tpu.region"() ({
      %run_scoped3A = tpu.sem_alloc : memref<!tpu.dma_semaphore, #tpu.memory_space<semaphore_mem>>
      %dma_start3A_10 = tpu.memref_slice %arg4[%add3A_6] : memref<100352xf32, #tpu.memory_space<hbm>> -> memref<3136xf32, #tpu.memory_space<hbm>>
      %dma_start3A_11 = tpu.memref_slice %arg4[%add3A_6] : memref<100352xf32, #tpu.memory_space<hbm>> -> memref<3136xf32, #tpu.memory_space<hbm>>
      tpu.enqueue_dma source(%arg6 : memref<3136xf32, #tpu.memory_space<vmem>>) target(%dma_start3A_11 : memref<3136xf32, #tpu.memory_space<hbm>>) target_semaphore(%run_scoped3A : memref<!tpu.dma_semaphore, #tpu.memory_space<semaphore_mem>>)
      %dma_wait3A_12 = tpu.memref_slice %arg4[%add3A_6] : memref<100352xf32, #tpu.memory_space<hbm>> -> memref<3136xf32, #tpu.memory_space<hbm>>
      %dma_wait3A_13 = tpu.memref_slice %arg4[%add3A_6] : memref<100352xf32, #tpu.memory_space<hbm>> -> memref<3136xf32, #tpu.memory_space<hbm>>
      tpu.wait_dma2 semaphore(%run_scoped3A : memref<!tpu.dma_semaphore, #tpu.memory_space<semaphore_mem>>) src(%arg6 : memref<3136xf32, #tpu.memory_space<vmem>>) dst(%dma_wait3A_13 : memref<3136xf32, #tpu.memory_space<hbm>>)
      tpu.yield
    }) : () -> ()
    %scan3A_9 = arith.constant 1 : i32
    return
  }
}

module attributes {stable_mosaic.version = 14 : i64} {
  func.func @_seg_body(%arg0: i32, %arg1: memref<1x1x1024xf32, #tpu.memory_space<vmem>>, %arg2: memref<1x1x1024xf32, #tpu.memory_space<vmem>>, %arg3: memref<1x1x1024xi32, #tpu.memory_space<vmem>>, %arg4: memref<1x1x1024xf32, #tpu.memory_space<vmem>>, %arg5: memref<128x128xf32, #tpu.memory_space<vmem>>, %arg6: memref<1x1x1024xf32, #tpu.memory_space<vmem>>, %arg7: memref<128x1xf32, #tpu.memory_space<vmem>>, %arg8: memref<1x1xi32, #tpu.memory_space<vmem>>) attributes {dimension_semantics = [#tpu.dimension_semantics<arbitrary>], iteration_bounds = array<i64: 3125>, scalar_prefetch = 0 : i64, scratch_operands = 2 : i64, tpu.core_type = #tpu.core_type<tc>, window_params = [{transform_indices = @transform_0, window_bounds = array<i64: 1, 1, 1024>}, {transform_indices = @transform_1, window_bounds = array<i64: 1, 1, 1024>}, {transform_indices = @transform_2, window_bounds = array<i64: 1, 1, 1024>}, {transform_indices = @transform_3, window_bounds = array<i64: 1, 1, 1024>}, {pipeline_mode = #tpu.pipeline_mode<synchronous>, transform_indices = @transform_4, window_bounds = array<i64: 128, 128>}, {transform_indices = @transform_5, window_bounds = array<i64: 1, 1, 1024>}]} {
    %eq3A = arith.constant 0 : i32
    %eq3A_0 = arith.cmpi eq, %arg0, %eq3A : i32
    %convert_element_type3A = arith.extui %eq3A_0 : i1 to i32
    %cond3A = arith.constant 0 : i32
    %cond3A_1 = arith.cmpi ne, %convert_element_type3A, %cond3A : i32
    scf.if %cond3A_1 {
      %broadcast_in_dim3A_217 = arith.constant 0x7F800000 : f32
      %broadcast_in_dim3A_218 = vector.broadcast %broadcast_in_dim3A_217 : f32 to vector<128x1xf32>
      %swap3A_219 = arith.constant 0 : index
      %swap3A_220 = arith.constant 0 : index
      %swap3A_221 = vector.load %arg7[%swap3A_219, %swap3A_220] : memref<128x1xf32, #tpu.memory_space<vmem>>, vector<128x1xf32>
      tpu.vector_store %arg7[%swap3A_219, %swap3A_220], %broadcast_in_dim3A_218 {strides = array<i32>} : memref<128x1xf32, #tpu.memory_space<vmem>>, vector<128x1xf32>,
      %broadcast_in_dim3A_222 = arith.constant -1 : i32
      %broadcast_in_dim3A_223 = vector.broadcast %broadcast_in_dim3A_222 : i32 to vector<1x1xi32>
      %swap3A_224 = arith.constant 0 : index
      %swap3A_225 = arith.constant 0 : index
      %swap3A_226 = vector.load %arg8[%swap3A_224, %swap3A_225] : memref<1x1xi32, #tpu.memory_space<vmem>>, vector<1x1xi32>
      tpu.vector_store %arg8[%swap3A_224, %swap3A_225], %broadcast_in_dim3A_223 {strides = array<i32>} : memref<1x1xi32, #tpu.memory_space<vmem>>, vector<1x1xi32>,
    } else {
    }
    %get3A = arith.constant 0 : index
    %get3A_2 = arith.constant 0 : index
    %get3A_3 = vector.load %arg5[%get3A, %get3A_2] : memref<128x128xf32, #tpu.memory_space<vmem>>, vector<128x128xf32>
    %slice3A = vector.extract_strided_slice %get3A_3 {offsets = [0, 0], sizes = [128, 1], strides = [1, 1]} : vector<128x128xf32> to vector<128x1xf32>
    %slice3A_4 = vector.extract_strided_slice %get3A_3 {offsets = [0, 1], sizes = [128, 1], strides = [1, 1]} : vector<128x128xf32> to vector<128x1xf32>
    %slice3A_5 = vector.extract_strided_slice %get3A_3 {offsets = [0, 2], sizes = [128, 1], strides = [1, 1]} : vector<128x128xf32> to vector<128x1xf32>
    %slice3A_6 = vector.extract_strided_slice %get3A_3 {offsets = [0, 3], sizes = [128, 1], strides = [1, 1]} : vector<128x128xf32> to vector<128x1xf32>
    %slice3A_7 = vector.extract_strided_slice %get3A_3 {offsets = [0, 4], sizes = [1, 1], strides = [1, 1]} : vector<128x128xf32> to vector<1x1xf32>
    %slice3A_8 = vector.extract_strided_slice %get3A_3 {offsets = [0, 5], sizes = [1, 1], strides = [1, 1]} : vector<128x128xf32> to vector<1x1xf32>
    %get3A_9 = arith.constant 0 : index
    %get3A_10 = arith.constant 0 : index
    %get3A_11 = arith.constant 0 : index
    %get3A_12 = vector.load %arg4[%get3A_9, %get3A_10, %get3A_11] : memref<1x1x1024xf32, #tpu.memory_space<vmem>>, vector<1x1x1024xf32>
    %get3A_13 = vector.shape_cast %get3A_12 : vector<1x1x1024xf32> to vector<1x1024xf32>
    %get3A_14 = arith.constant 0 : index
    %get3A_15 = arith.constant 0 : index
    %get3A_16 = arith.constant 0 : index
    %get3A_17 = vector.load %arg1[%get3A_14, %get3A_15, %get3A_16] : memref<1x1x1024xf32, #tpu.memory_space<vmem>>, vector<1x1x1024xf32>
    %get3A_18 = vector.shape_cast %get3A_17 : vector<1x1x1024xf32> to vector<1x1024xf32>
    %mul3A = arith.mulf %get3A_13, %get3A_18 : vector<1x1024xf32>
    %sub3A = arith.constant 1.000000e+00 : f32
    %sub3A_19 = vector.broadcast %sub3A : f32 to vector<1x1024xf32>
    %sub3A_20 = arith.subf %sub3A_19, %get3A_13 : vector<1x1024xf32>
    %mul3A_21 = vector.broadcast %slice3A_8 : vector<1x1xf32> to vector<1x1024xf32>
    %mul3A_22 = arith.mulf %sub3A_20, %mul3A_21 : vector<1x1024xf32>
    %add3A = arith.addf %mul3A, %mul3A_22 : vector<1x1024xf32>
    %convert_element_type3A_23 = arith.truncf %add3A : vector<1x1024xf32> to vector<1x1024xbf16>
    %convert_element_type3A_24 = arith.extf %convert_element_type3A_23 : vector<1x1024xbf16> to vector<1x1024xf32>
    %get3A_25 = arith.constant 0 : index
    %get3A_26 = arith.constant 0 : index
    %get3A_27 = arith.constant 0 : index
    %get3A_28 = vector.load %arg2[%get3A_25, %get3A_26, %get3A_27] : memref<1x1x1024xf32, #tpu.memory_space<vmem>>, vector<1x1x1024xf32>
    %get3A_29 = vector.shape_cast %get3A_28 : vector<1x1x1024xf32> to vector<1x1024xf32>
    %convert_element_type3A_30 = arith.truncf %get3A_29 : vector<1x1024xf32> to vector<1x1024xbf16>
    %convert_element_type3A_31 = arith.extf %convert_element_type3A_30 : vector<1x1024xbf16> to vector<1x1024xf32>
    %get3A_32 = arith.constant 0 : index
    %get3A_33 = arith.constant 0 : index
    %get3A_34 = arith.constant 0 : index
    %get3A_35 = vector.load %arg3[%get3A_32, %get3A_33, %get3A_34] : memref<1x1x1024xi32, #tpu.memory_space<vmem>>, vector<1x1x1024xi32>
    %get3A_36 = vector.shape_cast %get3A_35 : vector<1x1x1024xi32> to vector<1x1024xi32>
    %convert_element_type3A_37 = arith.truncf %slice3A : vector<128x1xf32> to vector<128x1xbf16>
    %convert_element_type3A_38 = arith.extf %convert_element_type3A_37 : vector<128x1xbf16> to vector<128x1xf32>
    %mul3A_39 = vector.broadcast %convert_element_type3A_38 : vector<128x1xf32> to vector<128x1024xf32>
    %mul3A_40 = vector.broadcast %convert_element_type3A_24 : vector<1x1024xf32> to vector<128x1024xf32>
    %mul3A_41 = arith.mulf %mul3A_39, %mul3A_40 : vector<128x1024xf32>
    %convert_element_type3A_42 = arith.truncf %slice3A_4 : vector<128x1xf32> to vector<128x1xbf16>
    %convert_element_type3A_43 = arith.extf %convert_element_type3A_42 : vector<128x1xbf16> to vector<128x1xf32>
    %mul3A_44 = vector.broadcast %convert_element_type3A_43 : vector<128x1xf32> to vector<128x1024xf32>
    %mul3A_45 = vector.broadcast %convert_element_type3A_31 : vector<1x1024xf32> to vector<128x1024xf32>
    %mul3A_46 = arith.mulf %mul3A_44, %mul3A_45 : vector<128x1024xf32>
    %add3A_47 = arith.addf %mul3A_41, %mul3A_46 : vector<128x1024xf32>
    %broadcast_in_dim3A = arith.constant 0x7F800000 : f32
    %broadcast_in_dim3A_48 = vector.broadcast %broadcast_in_dim3A : f32 to vector<128x1xf32>
    %slice3A_49 = vector.extract_strided_slice %add3A_47 {offsets = [0, 0], sizes = [128, 1023], strides = [1, 1]} : vector<128x1024xf32> to vector<128x1023xf32>
    %concatenate3A = tpu.concatenate %broadcast_in_dim3A_48, %slice3A_49 in 1 : vector<128x1xf32>, vector<128x1023xf32> -> vector<128x1024xf32>
    %broadcast_in_dim3A_50 = arith.constant -1 : i32
    %broadcast_in_dim3A_51 = vector.broadcast %broadcast_in_dim3A_50 : i32 to vector<1x1xi32>
    %slice3A_52 = vector.extract_strided_slice %get3A_36 {offsets = [0, 0], sizes = [1, 1023], strides = [1, 1]} : vector<1x1024xi32> to vector<1x1023xi32>
    %concatenate3A_53 = tpu.concatenate %broadcast_in_dim3A_51, %slice3A_52 in 1 : vector<1x1xi32>, vector<1x1023xi32> -> vector<1x1024xi32>
    %eq3A_54 = arith.cmpi eq, %concatenate3A_53, %get3A_36 : vector<1x1024xi32>
    %min3A = arith.minimumf %add3A_47, %concatenate3A : vector<128x1024xf32>
    %broadcast_in_dim3A_55 = vector.shape_cast %eq3A_54 : vector<1x1024xi1> to vector<1x1024xi1>
    %broadcast_in_dim3A_56 = vector.broadcast %broadcast_in_dim3A_55 : vector<1x1024xi1> to vector<128x1024xi1>
    %select_n3A = arith.select %broadcast_in_dim3A_56, %min3A, %add3A_47 : vector<128x1024xi1>, vector<128x1024xf32>
    %broadcast_in_dim3A_57 = arith.constant 0x7F800000 : f32
    %broadcast_in_dim3A_58 = vector.broadcast %broadcast_in_dim3A_57 : f32 to vector<128x2xf32>
    %slice3A_59 = vector.extract_strided_slice %select_n3A {offsets = [0, 0], sizes = [128, 1022], strides = [1, 1]} : vector<128x1024xf32> to vector<128x1022xf32>
    %concatenate3A_60 = tpu.concatenate %broadcast_in_dim3A_58, %slice3A_59 in 1 : vector<128x2xf32>, vector<128x1022xf32> -> vector<128x1024xf32>
    %broadcast_in_dim3A_61 = arith.constant -1 : i32
    %broadcast_in_dim3A_62 = vector.broadcast %broadcast_in_dim3A_61 : i32 to vector<1x2xi32>
    %slice3A_63 = vector.extract_strided_slice %get3A_36 {offsets = [0, 0], sizes = [1, 1022], strides = [1, 1]} : vector<1x1024xi32> to vector<1x1022xi32>
    %concatenate3A_64 = tpu.concatenate %broadcast_in_dim3A_62, %slice3A_63 in 1 : vector<1x2xi32>, vector<1x1022xi32> -> vector<1x1024xi32>
    %eq3A_65 = arith.cmpi eq, %concatenate3A_64, %get3A_36 : vector<1x1024xi32>
    %min3A_66 = arith.minimumf %select_n3A, %concatenate3A_60 : vector<128x1024xf32>
    %broadcast_in_dim3A_67 = vector.shape_cast %eq3A_65 : vector<1x1024xi1> to vector<1x1024xi1>
    %broadcast_in_dim3A_68 = vector.broadcast %broadcast_in_dim3A_67 : vector<1x1024xi1> to vector<128x1024xi1>
    %select_n3A_69 = arith.select %broadcast_in_dim3A_68, %min3A_66, %select_n3A : vector<128x1024xi1>, vector<128x1024xf32>
    %broadcast_in_dim3A_70 = arith.constant 0x7F800000 : f32
    %broadcast_in_dim3A_71 = vector.broadcast %broadcast_in_dim3A_70 : f32 to vector<128x4xf32>
    %slice3A_72 = vector.extract_strided_slice %select_n3A_69 {offsets = [0, 0], sizes = [128, 1020], strides = [1, 1]} : vector<128x1024xf32> to vector<128x1020xf32>
    %concatenate3A_73 = tpu.concatenate %broadcast_in_dim3A_71, %slice3A_72 in 1 : vector<128x4xf32>, vector<128x1020xf32> -> vector<128x1024xf32>
    %broadcast_in_dim3A_74 = arith.constant -1 : i32
    %broadcast_in_dim3A_75 = vector.broadcast %broadcast_in_dim3A_74 : i32 to vector<1x4xi32>
    %slice3A_76 = vector.extract_strided_slice %get3A_36 {offsets = [0, 0], sizes = [1, 1020], strides = [1, 1]} : vector<1x1024xi32> to vector<1x1020xi32>
    %concatenate3A_77 = tpu.concatenate %broadcast_in_dim3A_75, %slice3A_76 in 1 : vector<1x4xi32>, vector<1x1020xi32> -> vector<1x1024xi32>
    %eq3A_78 = arith.cmpi eq, %concatenate3A_77, %get3A_36 : vector<1x1024xi32>
    %min3A_79 = arith.minimumf %select_n3A_69, %concatenate3A_73 : vector<128x1024xf32>
    %broadcast_in_dim3A_80 = vector.shape_cast %eq3A_78 : vector<1x1024xi1> to vector<1x1024xi1>
    %broadcast_in_dim3A_81 = vector.broadcast %broadcast_in_dim3A_80 : vector<1x1024xi1> to vector<128x1024xi1>
    %select_n3A_82 = arith.select %broadcast_in_dim3A_81, %min3A_79, %select_n3A_69 : vector<128x1024xi1>, vector<128x1024xf32>
    %broadcast_in_dim3A_83 = arith.constant 0x7F800000 : f32
    %broadcast_in_dim3A_84 = vector.broadcast %broadcast_in_dim3A_83 : f32 to vector<128x8xf32>
    %slice3A_85 = vector.extract_strided_slice %select_n3A_82 {offsets = [0, 0], sizes = [128, 1016], strides = [1, 1]} : vector<128x1024xf32> to vector<128x1016xf32>
    %concatenate3A_86 = tpu.concatenate %broadcast_in_dim3A_84, %slice3A_85 in 1 : vector<128x8xf32>, vector<128x1016xf32> -> vector<128x1024xf32>
    %broadcast_in_dim3A_87 = arith.constant -1 : i32
    %broadcast_in_dim3A_88 = vector.broadcast %broadcast_in_dim3A_87 : i32 to vector<1x8xi32>
    %slice3A_89 = vector.extract_strided_slice %get3A_36 {offsets = [0, 0], sizes = [1, 1016], strides = [1, 1]} : vector<1x1024xi32> to vector<1x1016xi32>
    %concatenate3A_90 = tpu.concatenate %broadcast_in_dim3A_88, %slice3A_89 in 1 : vector<1x8xi32>, vector<1x1016xi32> -> vector<1x1024xi32>
    %eq3A_91 = arith.cmpi eq, %concatenate3A_90, %get3A_36 : vector<1x1024xi32>
    %min3A_92 = arith.minimumf %select_n3A_82, %concatenate3A_86 : vector<128x1024xf32>
    %broadcast_in_dim3A_93 = vector.shape_cast %eq3A_91 : vector<1x1024xi1> to vector<1x1024xi1>
    %broadcast_in_dim3A_94 = vector.broadcast %broadcast_in_dim3A_93 : vector<1x1024xi1> to vector<128x1024xi1>
    %select_n3A_95 = arith.select %broadcast_in_dim3A_94, %min3A_92, %select_n3A_82 : vector<128x1024xi1>, vector<128x1024xf32>
    %broadcast_in_dim3A_96 = arith.constant 0x7F800000 : f32
    %broadcast_in_dim3A_97 = vector.broadcast %broadcast_in_dim3A_96 : f32 to vector<128x16xf32>
    %slice3A_98 = vector.extract_strided_slice %select_n3A_95 {offsets = [0, 0], sizes = [128, 1008], strides = [1, 1]} : vector<128x1024xf32> to vector<128x1008xf32>
    %concatenate3A_99 = tpu.concatenate %broadcast_in_dim3A_97, %slice3A_98 in 1 : vector<128x16xf32>, vector<128x1008xf32> -> vector<128x1024xf32>
    %broadcast_in_dim3A_100 = arith.constant -1 : i32
    %broadcast_in_dim3A_101 = vector.broadcast %broadcast_in_dim3A_100 : i32 to vector<1x16xi32>
    %slice3A_102 = vector.extract_strided_slice %get3A_36 {offsets = [0, 0], sizes = [1, 1008], strides = [1, 1]} : vector<1x1024xi32> to vector<1x1008xi32>
    %concatenate3A_103 = tpu.concatenate %broadcast_in_dim3A_101, %slice3A_102 in 1 : vector<1x16xi32>, vector<1x1008xi32> -> vector<1x1024xi32>
    %eq3A_104 = arith.cmpi eq, %concatenate3A_103, %get3A_36 : vector<1x1024xi32>
    %min3A_105 = arith.minimumf %select_n3A_95, %concatenate3A_99 : vector<128x1024xf32>
    %broadcast_in_dim3A_106 = vector.shape_cast %eq3A_104 : vector<1x1024xi1> to vector<1x1024xi1>
    %broadcast_in_dim3A_107 = vector.broadcast %broadcast_in_dim3A_106 : vector<1x1024xi1> to vector<128x1024xi1>
    %select_n3A_108 = arith.select %broadcast_in_dim3A_107, %min3A_105, %select_n3A_95 : vector<128x1024xi1>, vector<128x1024xf32>
    %broadcast_in_dim3A_109 = arith.constant 0x7F800000 : f32
    %broadcast_in_dim3A_110 = vector.broadcast %broadcast_in_dim3A_109 : f32 to vector<128x32xf32>
    %slice3A_111 = vector.extract_strided_slice %select_n3A_108 {offsets = [0, 0], sizes = [128, 992], strides = [1, 1]} : vector<128x1024xf32> to vector<128x992xf32>
    %concatenate3A_112 = tpu.concatenate %broadcast_in_dim3A_110, %slice3A_111 in 1 : vector<128x32xf32>, vector<128x992xf32> -> vector<128x1024xf32>
    %broadcast_in_dim3A_113 = arith.constant -1 : i32
    %broadcast_in_dim3A_114 = vector.broadcast %broadcast_in_dim3A_113 : i32 to vector<1x32xi32>
    %slice3A_115 = vector.extract_strided_slice %get3A_36 {offsets = [0, 0], sizes = [1, 992], strides = [1, 1]} : vector<1x1024xi32> to vector<1x992xi32>
    %concatenate3A_116 = tpu.concatenate %broadcast_in_dim3A_114, %slice3A_115 in 1 : vector<1x32xi32>, vector<1x992xi32> -> vector<1x1024xi32>
    %eq3A_117 = arith.cmpi eq, %concatenate3A_116, %get3A_36 : vector<1x1024xi32>
    %min3A_118 = arith.minimumf %select_n3A_108, %concatenate3A_112 : vector<128x1024xf32>
    %broadcast_in_dim3A_119 = vector.shape_cast %eq3A_117 : vector<1x1024xi1> to vector<1x1024xi1>
    %broadcast_in_dim3A_120 = vector.broadcast %broadcast_in_dim3A_119 : vector<1x1024xi1> to vector<128x1024xi1>
    %select_n3A_121 = arith.select %broadcast_in_dim3A_120, %min3A_118, %select_n3A_108 : vector<128x1024xi1>, vector<128x1024xf32>
    %broadcast_in_dim3A_122 = arith.constant 0x7F800000 : f32
    %broadcast_in_dim3A_123 = vector.broadcast %broadcast_in_dim3A_122 : f32 to vector<128x64xf32>
    %slice3A_124 = vector.extract_strided_slice %select_n3A_121 {offsets = [0, 0], sizes = [128, 960], strides = [1, 1]} : vector<128x1024xf32> to vector<128x960xf32>
    %concatenate3A_125 = tpu.concatenate %broadcast_in_dim3A_123, %slice3A_124 in 1 : vector<128x64xf32>, vector<128x960xf32> -> vector<128x1024xf32>
    %broadcast_in_dim3A_126 = arith.constant -1 : i32
    %broadcast_in_dim3A_127 = vector.broadcast %broadcast_in_dim3A_126 : i32 to vector<1x64xi32>
    %slice3A_128 = vector.extract_strided_slice %get3A_36 {offsets = [0, 0], sizes = [1, 960], strides = [1, 1]} : vector<1x1024xi32> to vector<1x960xi32>
    %concatenate3A_129 = tpu.concatenate %broadcast_in_dim3A_127, %slice3A_128 in 1 : vector<1x64xi32>, vector<1x960xi32> -> vector<1x1024xi32>
    %eq3A_130 = arith.cmpi eq, %concatenate3A_129, %get3A_36 : vector<1x1024xi32>
    %min3A_131 = arith.minimumf %select_n3A_121, %concatenate3A_125 : vector<128x1024xf32>
    %broadcast_in_dim3A_132 = vector.shape_cast %eq3A_130 : vector<1x1024xi1> to vector<1x1024xi1>
    %broadcast_in_dim3A_133 = vector.broadcast %broadcast_in_dim3A_132 : vector<1x1024xi1> to vector<128x1024xi1>
    %select_n3A_134 = arith.select %broadcast_in_dim3A_133, %min3A_131, %select_n3A_121 : vector<128x1024xi1>, vector<128x1024xf32>
    %broadcast_in_dim3A_135 = arith.constant 0x7F800000 : f32
    %broadcast_in_dim3A_136 = vector.broadcast %broadcast_in_dim3A_135 : f32 to vector<128x128xf32>
    %slice3A_137 = vector.extract_strided_slice %select_n3A_134 {offsets = [0, 0], sizes = [128, 896], strides = [1, 1]} : vector<128x1024xf32> to vector<128x896xf32>
    %concatenate3A_138 = tpu.concatenate %broadcast_in_dim3A_136, %slice3A_137 in 1 : vector<128x128xf32>, vector<128x896xf32> -> vector<128x1024xf32>
    %broadcast_in_dim3A_139 = arith.constant -1 : i32
    %broadcast_in_dim3A_140 = vector.broadcast %broadcast_in_dim3A_139 : i32 to vector<1x128xi32>
    %slice3A_141 = vector.extract_strided_slice %get3A_36 {offsets = [0, 0], sizes = [1, 896], strides = [1, 1]} : vector<1x1024xi32> to vector<1x896xi32>
    %concatenate3A_142 = tpu.concatenate %broadcast_in_dim3A_140, %slice3A_141 in 1 : vector<1x128xi32>, vector<1x896xi32> -> vector<1x1024xi32>
    %eq3A_143 = arith.cmpi eq, %concatenate3A_142, %get3A_36 : vector<1x1024xi32>
    %min3A_144 = arith.minimumf %select_n3A_134, %concatenate3A_138 : vector<128x1024xf32>
    %broadcast_in_dim3A_145 = vector.shape_cast %eq3A_143 : vector<1x1024xi1> to vector<1x1024xi1>
    %broadcast_in_dim3A_146 = vector.broadcast %broadcast_in_dim3A_145 : vector<1x1024xi1> to vector<128x1024xi1>
    %select_n3A_147 = arith.select %broadcast_in_dim3A_146, %min3A_144, %select_n3A_134 : vector<128x1024xi1>, vector<128x1024xf32>
    %broadcast_in_dim3A_148 = arith.constant 0x7F800000 : f32
    %broadcast_in_dim3A_149 = vector.broadcast %broadcast_in_dim3A_148 : f32 to vector<128x256xf32>
    %slice3A_150 = vector.extract_strided_slice %select_n3A_147 {offsets = [0, 0], sizes = [128, 768], strides = [1, 1]} : vector<128x1024xf32> to vector<128x768xf32>
    %concatenate3A_151 = tpu.concatenate %broadcast_in_dim3A_149, %slice3A_150 in 1 : vector<128x256xf32>, vector<128x768xf32> -> vector<128x1024xf32>
    %broadcast_in_dim3A_152 = arith.constant -1 : i32
    %broadcast_in_dim3A_153 = vector.broadcast %broadcast_in_dim3A_152 : i32 to vector<1x256xi32>
    %slice3A_154 = vector.extract_strided_slice %get3A_36 {offsets = [0, 0], sizes = [1, 768], strides = [1, 1]} : vector<1x1024xi32> to vector<1x768xi32>
    %concatenate3A_155 = tpu.concatenate %broadcast_in_dim3A_153, %slice3A_154 in 1 : vector<1x256xi32>, vector<1x768xi32> -> vector<1x1024xi32>
    %eq3A_156 = arith.cmpi eq, %concatenate3A_155, %get3A_36 : vector<1x1024xi32>
    %min3A_157 = arith.minimumf %select_n3A_147, %concatenate3A_151 : vector<128x1024xf32>
    %broadcast_in_dim3A_158 = vector.shape_cast %eq3A_156 : vector<1x1024xi1> to vector<1x1024xi1>
    %broadcast_in_dim3A_159 = vector.broadcast %broadcast_in_dim3A_158 : vector<1x1024xi1> to vector<128x1024xi1>
    %select_n3A_160 = arith.select %broadcast_in_dim3A_159, %min3A_157, %select_n3A_147 : vector<128x1024xi1>, vector<128x1024xf32>
    %broadcast_in_dim3A_161 = arith.constant 0x7F800000 : f32
    %broadcast_in_dim3A_162 = vector.broadcast %broadcast_in_dim3A_161 : f32 to vector<128x512xf32>
    %slice3A_163 = vector.extract_strided_slice %select_n3A_160 {offsets = [0, 0], sizes = [128, 512], strides = [1, 1]} : vector<128x1024xf32> to vector<128x512xf32>
    %concatenate3A_164 = tpu.concatenate %broadcast_in_dim3A_162, %slice3A_163 in 1 : vector<128x512xf32>, vector<128x512xf32> -> vector<128x1024xf32>
    %broadcast_in_dim3A_165 = arith.constant -1 : i32
    %broadcast_in_dim3A_166 = vector.broadcast %broadcast_in_dim3A_165 : i32 to vector<1x512xi32>
    %slice3A_167 = vector.extract_strided_slice %get3A_36 {offsets = [0, 0], sizes = [1, 512], strides = [1, 1]} : vector<1x1024xi32> to vector<1x512xi32>
    %concatenate3A_168 = tpu.concatenate %broadcast_in_dim3A_166, %slice3A_167 in 1 : vector<1x512xi32>, vector<1x512xi32> -> vector<1x1024xi32>
    %eq3A_169 = arith.cmpi eq, %concatenate3A_168, %get3A_36 : vector<1x1024xi32>
    %min3A_170 = arith.minimumf %select_n3A_160, %concatenate3A_164 : vector<128x1024xf32>
    %broadcast_in_dim3A_171 = vector.shape_cast %eq3A_169 : vector<1x1024xi1> to vector<1x1024xi1>
    %broadcast_in_dim3A_172 = vector.broadcast %broadcast_in_dim3A_171 : vector<1x1024xi1> to vector<128x1024xi1>
    %select_n3A_173 = arith.select %broadcast_in_dim3A_172, %min3A_170, %select_n3A_160 : vector<128x1024xi1>, vector<128x1024xf32>
    %get3A_174 = arith.constant 0 : index
    %get3A_175 = arith.constant 0 : index
    %get3A_176 = vector.load %arg8[%get3A_174, %get3A_175] : memref<1x1xi32, #tpu.memory_space<vmem>>, vector<1x1xi32>
    %eq3A_177 = vector.broadcast %get3A_176 : vector<1x1xi32> to vector<1x1024xi32>
    %eq3A_178 = arith.cmpi eq, %get3A_36, %eq3A_177 : vector<1x1024xi32>
    %get3A_179 = arith.constant 0 : index
    %get3A_180 = arith.constant 0 : index
    %get3A_181 = vector.load %arg7[%get3A_179, %get3A_180] : memref<128x1xf32, #tpu.memory_space<vmem>>, vector<128x1xf32>
    %min3A_182 = vector.broadcast %get3A_181 : vector<128x1xf32> to vector<128x1024xf32>
    %min3A_183 = arith.minimumf %select_n3A_173, %min3A_182 : vector<128x1024xf32>
    %broadcast_in_dim3A_184 = vector.shape_cast %eq3A_178 : vector<1x1024xi1> to vector<1x1024xi1>
    %broadcast_in_dim3A_185 = vector.broadcast %broadcast_in_dim3A_184 : vector<1x1024xi1> to vector<128x1024xi1>
    %select_n3A_186 = arith.select %broadcast_in_dim3A_185, %min3A_183, %select_n3A_173 : vector<128x1024xi1>, vector<128x1024xf32>
    %slice3A_187 = vector.extract_strided_slice %select_n3A_186 {offsets = [0, 1023], sizes = [128, 1], strides = [1, 1]} : vector<128x1024xf32> to vector<128x1xf32>
    %swap3A = arith.constant 0 : index
    %swap3A_188 = arith.constant 0 : index
    %swap3A_189 = vector.load %arg7[%swap3A, %swap3A_188] : memref<128x1xf32, #tpu.memory_space<vmem>>, vector<128x1xf32>
    tpu.vector_store %arg7[%swap3A, %swap3A_188], %slice3A_187 {strides = array<i32>} : memref<128x1xf32, #tpu.memory_space<vmem>>, vector<128x1xf32>,
    %slice3A_190 = vector.extract_strided_slice %get3A_36 {offsets = [0, 1023], sizes = [1, 1], strides = [1, 1]} : vector<1x1024xi32> to vector<1x1xi32>
    %swap3A_191 = arith.constant 0 : index
    %swap3A_192 = arith.constant 0 : index
    %swap3A_193 = vector.load %arg8[%swap3A_191, %swap3A_192] : memref<1x1xi32, #tpu.memory_space<vmem>>, vector<1x1xi32>
    tpu.vector_store %arg8[%swap3A_191, %swap3A_192], %slice3A_190 {strides = array<i32>} : memref<1x1xi32, #tpu.memory_space<vmem>>, vector<1x1xi32>,
    %add3A_194 = vector.broadcast %slice3A_5 : vector<128x1xf32> to vector<128x1024xf32>
    %add3A_195 = arith.addf %select_n3A_186, %add3A_194 : vector<128x1024xf32>
    %max3A = arith.constant 0.000000e+00 : f32
    %max3A_196 = vector.broadcast %max3A : f32 to vector<128x1024xf32>
    %max3A_197 = arith.maximumf %add3A_195, %max3A_196 : vector<128x1024xf32>
    %convert_element_type3A_198 = arith.truncf %max3A_197 : vector<128x1024xf32> to vector<128x1024xbf16>
    %convert_element_type3A_199 = arith.extf %convert_element_type3A_198 : vector<128x1024xbf16> to vector<128x1024xf32>
    %convert_element_type3A_200 = arith.truncf %slice3A_6 : vector<128x1xf32> to vector<128x1xbf16>
    %convert_element_type3A_201 = arith.extf %convert_element_type3A_200 : vector<128x1xbf16> to vector<128x1xf32>
    %mul3A_202 = vector.broadcast %convert_element_type3A_201 : vector<128x1xf32> to vector<128x1024xf32>
    %mul3A_203 = arith.mulf %convert_element_type3A_199, %mul3A_202 : vector<128x1024xf32>
    %reduce_sum3A = arith.constant dense<0.000000e+00> : vector<1024xf32>
    %reduce_sum3A_204 = vector.multi_reduction <add>, %mul3A_203, %reduce_sum3A [0] : vector<128x1024xf32> to vector<1024xf32>
    %broadcast_in_dim3A_205 = vector.shape_cast %reduce_sum3A_204 : vector<1024xf32> to vector<1x1024xf32>
    %add3A_206 = vector.broadcast %slice3A_7 : vector<1x1xf32> to vector<1x1024xf32>
    %add3A_207 = arith.addf %broadcast_in_dim3A_205, %add3A_206 : vector<1x1024xf32>
    %max3A_208 = arith.constant 0.000000e+00 : f32
    %max3A_209 = vector.broadcast %max3A_208 : f32 to vector<1x1024xf32>
    %max3A_210 = arith.maximumf %add3A_207, %max3A_209 : vector<1x1024xf32>
    %swap3A_211 = arith.constant 0 : index
    %swap3A_212 = arith.constant 0 : index
    %swap3A_213 = arith.constant 0 : index
    %swap3A_214 = vector.load %arg6[%swap3A_211, %swap3A_212, %swap3A_213] : memref<1x1x1024xf32, #tpu.memory_space<vmem>>, vector<1x1x1024xf32>
    %swap3A_215 = vector.shape_cast %swap3A_214 : vector<1x1x1024xf32> to vector<1x1024xf32>
    %swap3A_216 = vector.shape_cast %max3A_210 : vector<1x1024xf32> to vector<1x1x1024xf32>
    tpu.vector_store %arg6[%swap3A_211, %swap3A_212, %swap3A_213], %swap3A_216 {strides = array<i32>} : memref<1x1x1024xf32, #tpu.memory_space<vmem>>, vector<1x1x1024xf32>,
    return
  }
  func.func @transform_0(%arg0: i32) -> (i32, i32, i32) {
    %c0_i32 = arith.constant 0 : i32
    %c0_i32_0 = arith.constant 0 : i32
    %c0_i32_1 = arith.constant 0 : i32
    return %arg0, %c0_i32, %c0_i32_0 : i32, i32, i32
  }
  func.func @transform_1(%arg0: i32) -> (i32, i32, i32) {
    %c0_i32 = arith.constant 0 : i32
    %c0_i32_0 = arith.constant 0 : i32
    %c0_i32_1 = arith.constant 0 : i32
    return %arg0, %c0_i32, %c0_i32_0 : i32, i32, i32
  }
  func.func @transform_2(%arg0: i32) -> (i32, i32, i32) {
    %c0_i32 = arith.constant 0 : i32
    %c0_i32_0 = arith.constant 0 : i32
    %c0_i32_1 = arith.constant 0 : i32
    return %arg0, %c0_i32, %c0_i32_0 : i32, i32, i32
  }
  func.func @transform_3(%arg0: i32) -> (i32, i32, i32) {
    %c0_i32 = arith.constant 0 : i32
    %c0_i32_0 = arith.constant 0 : i32
    %c0_i32_1 = arith.constant 0 : i32
    return %arg0, %c0_i32, %c0_i32_0 : i32, i32, i32
  }
  func.func @transform_4(%arg0: i32) -> (i32, i32) {
    %c0_i32 = arith.constant 0 : i32
    %c0_i32_0 = arith.constant 0 : i32
    %c0_i32_1 = arith.constant 0 : i32
    return %c0_i32, %c0_i32_0 : i32, i32
  }
  func.func @transform_5(%arg0: i32) -> (i32, i32, i32) {
    %c0_i32 = arith.constant 0 : i32
    %c0_i32_0 = arith.constant 0 : i32
    %c0_i32_1 = arith.constant 0 : i32
    return %arg0, %c0_i32, %c0_i32_0 : i32, i32, i32
  }
}

</mosaic_0001>

<sc_bundles>
// kernel: kernel.10.cloned.1.call-start
scs
__scs_entry_jumppad:
0x0: {  	(pc) =	sbr.rel $0x88, $3  }
0x1: {  	(tag) =	ssettag $0x0;
	lr =	simm.s32 $0x1  }
0x2: {  	[smem:$0x3F9A] =	sst lr;
	_ =	strace $0xD0000000  }
0x3: {  	_ = 	snop  }
0x4: {  	_ = 	snop  }
0x5: {  	_ = 	snop  }
0x6: {  	_ = 	snop  }
0x7: {  	_ = 	snop  }
__scs_overlays_trampoline_lowered:
0x8: {  	[smem:$0x3FA9] =	sst s0  }
0x9: {  	[smem:$0x3FAA] =	sst s1  }
0xa: {  	[smem:$0x3FAB] =	sst s2  }
0xb: {  	[smem:$0x3FAC] =	sst s3  }
0xc: {  	[smem:$0x3FAD] =	sst s4  }
0xd: {  	[smem:$0x3FAE] =	sst s5  }
0xe: {  	[smem:$0x3FAF] =	sst s6  }
0xf: {  	[smem:$0x3FB0] =	sst s7  }
0x10: {  	[smem:$0x3FB1] =	sst s8  }
0x11: {  	[smem:$0x3FB2] =	sst s9;
	s0 =	simm.s32 @!p0 $0x0  }
0x12: {  	s1 =	sld [smem:$0x3F98];
	s0 =	simm.s32 @p0 $0x1  }
0x13: {  	[smem:$0x3FB3] =	sst s0;
	s0 =	simm.s32 @!p1 $0x0  }
0x14: {  	s2 =	sld [smem:$0x3F97];
	s0 =	simm.s32 @p1 $0x1  }
0x15: {  	[smem:$0x3FB4] =	sst s0;
	s0 =	simm.s32 @!p2 $0x0  }
0x16: {  	s3 =	sld [smem:$0x3FDB];
	s0 =	simm.s32 @p2 $0x1  }
0x17: {  	s4 =	simm.s32 $0x1BF5;
	[smem:$0x3FB6] =	sst s0  }
0x18: {  	s0 =	sld [smem:$0x3F99];
	_ =	swait.ge [sflag:s4], $0x0  }
0x19: {  	s7 =	sld [smem:$0x3F9A]  }
0x1a: {  	s8 =	sadd.s32 $0xFFFFE003, lr  }
0x1b: {  	s9 =	sadd.s32 $0xFFFFFEF7, lr;
	s5 =	simm.s32 $0xFFFFFFFF;
	p2 =	slt.u32 s8, $0xFFFFF086  }
0x1c: {  	p1 =	slt.u32 s9, $0xF7A;
	s5 =	simm.s32 @!p2 $0x0  }
0x1d: {  	s5 =	simm.s32 @p1 $0x1;
	p0 =	seq.s32 s7, s2  }
0x1e: {  	s7 =	smul.u32 @!p0 $0xF7A, s2;
	p2 =	seq.s32 @!p0 s5, $0x0  }
0x1f: {  	s9 =	smul.u32 $0xF7A, s1;
	s8 =	simm.s32 @!p0 $0x1BF5;
	p2 =	por !p2, p0  }
0x20: {  	[sflag:s8] =	ssyncset.s32 @!p0 $0xFFFFF086;
	s6 =	sadd.s32 @!p0 s3, s7;
	s7 =	simm.s32 @!p0 $0x108  }
0x21: {  	s3 =	sadd.s32 s3, s9;
	s6 =	sadd.s32 @!p0 $0x88, s6;
	s7 =	simm.s32 @p2 $0x1082  }
0x22: {  	[simem:s7], [sflag:s8] =	dma.local @!p0 [hbm:s6], $0xF7A  }
0x23: {  	s9 =	sor.u32 $0xD0000000, s2;
	s6 =	simm.s32 $0x108;
	_ =	swait.ge @!p0 [sflag:s8], $0x0  }
0x24: {  	s3 =	sadd.s32 $0x88, s3;
	s6 =	simm.s32 @!p1 $0x1082;
	[sflag:s4] =	ssyncset.s32 $0xFFFFF086  }
0x25: {  	[simem:s6], [sflag:s4] =	dma.local [hbm:s3], $0xF7A  }
0x26: {  	[smem:$0x3F9A] =	sst s1;
	(tag) =	ssettag s2;
	_ =	strace s9  }
0x27: {  	s1 =	sld [smem:$0x3FAA]  }
0x28: {  	s2 =	sld [smem:$0x3FAB]  }
0x29: {  	s4 =	sld [smem:$0x3FAD]  }
0x2a: {  	p0 =	seq.s32 s5, $0x0;
	s5 =	sld [smem:$0x3FAE]  }
0x2b: {  	s6 =	sld [smem:$0x3FAF]  }
0x2c: {  	s7 =	sld [smem:$0x3FB0]  }
0x2d: {  	s3 =	simm.s32 $0x108;
	s8 =	sld [smem:$0x3FB1]  }
0x2e: {  	s3 =	simm.s32 @!p0 $0x1082;
	s9 =	sld [smem:$0x3FB2]  }
0x2f: {  	lr =	sadd.s32 s0, s3;
	s0 =	sld [smem:$0x3FA9]  }
0x30: {  	s3 =	sld [smem:$0x3FAC]  }
0x31: {  	[smem:$0x3FB5] =	sst s10  }
0x32: {  	s10 =	sld [smem:$0x3FB3];
	_ =	sdelay $0x3  }
0x33: {  	p0 =	seq.s32 s10, $0x1;
	s10 =	sld [smem:$0x3FB5];
	_ =	sdelay $0x3  }
0x34: {  	[smem:$0x3FB5] =	sst s10  }
0x35: {  	s10 =	sld [smem:$0x3FB4];
	_ =	sdelay $0x3  }
0x36: {  	p1 =	seq.s32 s10, $0x1;
	s10 =	sld [smem:$0x3FB5];
	_ =	sdelay $0x3  }
0x37: {  	[smem:$0x3FB5] =	sst s10  }
0x38: {  	s10 =	sld [smem:$0x3FB6]  }
0x39: {  	_ = 	snop;
	(pc) =	sbr.ind lr, $3  }
0x3a: {  	_ = 	snop  }
0x3b: {  	_ = 	snop  }
0x3c: {  	p2 =	seq.s32 s10, $0x1;
	s10 =	sld [smem:$0x3FB5]  }
0x3d: {  	_ =	shalt  }
0x3e: {  	_ =	shalt  }
0x3f: {  	_ =	shalt  }
0x40: {  	_ =	shalt  }
0x41: {  	_ =	shalt  }
0x42: {  	_ =	shalt  }
0x43: {  	_ =	shalt  }
0x44: {  	_ =	shalt  }
0x45: {  	_ =	shalt  }
0x46: {  	_ =	shalt  }
0x47: {  	_ =	shalt  }
0x48: {  	_ =	shalt  }
0x49: {  	_ =	shalt  }
0x4a: {  	_ =	shalt  }
0x4b: {  	_ =	shalt  }
0x4c: {  	_ =	shalt  }
0x4d: {  	_ =	shalt  }
0x4e: {  	_ =	shalt  }
0x4f: {  	_ =	shalt  }
0x50: {  	_ =	shalt  }
0x51: {  	_ =	shalt  }
0x52: {  	_ =	shalt  }
0x53: {  	_ =	shalt  }
0x54: {  	_ =	shalt  }
0x55: {  	_ =	shalt  }
0x56: {  	_ =	shalt  }
0x57: {  	_ =	shalt  }
0x58: {  	_ =	shalt  }
0x59: {  	_ =	shalt  }
0x5a: {  	_ =	shalt  }
0x5b: {  	_ =	shalt  }
0x5c: {  	_ =	shalt  }
0x5d: {  	_ =	shalt  }
0x5e: {  	_ =	shalt  }
0x5f: {  	_ =	shalt  }
0x60: {  	_ =	shalt  }
0x61: {  	_ =	shalt  }
0x62: {  	_ =	shalt  }
0x63: {  	_ =	shalt  }
0x64: {  	_ =	shalt  }
0x65: {  	_ =	shalt  }
0x66: {  	_ =	shalt  }
0x67: {  	_ =	shalt  }
0x68: {  	_ =	shalt  }
0x69: {  	_ =	shalt  }
0x6a: {  	_ =	shalt  }
0x6b: {  	_ =	shalt  }
0x6c: {  	_ =	shalt  }
0x6d: {  	_ =	shalt  }
0x6e: {  	_ =	shalt  }
0x6f: {  	_ =	shalt  }
0x70: {  	_ =	shalt  }
0x71: {  	_ =	shalt  }
0x72: {  	_ =	shalt  }
0x73: {  	_ =	shalt  }
0x74: {  	_ =	shalt  }
0x75: {  	_ =	shalt  }
0x76: {  	_ =	shalt  }
0x77: {  	_ =	shalt  }
0x78: {  	_ =	shalt  }
0x79: {  	_ =	shalt  }
0x7a: {  	_ =	shalt  }
0x7b: {  	_ =	shalt  }
0x7c: {  	_ =	shalt  }
0x7d: {  	_ =	shalt  }
0x7e: {  	_ =	shalt  }
0x7f: {  	_ =	shalt  }
0x80: {  	_ =	shalt  }
0x81: {  	_ =	shalt  }
0x82: {  	_ =	shalt  }
0x83: {  	_ =	shalt  }
0x84: {  	_ =	shalt  }
0x85: {  	_ =	shalt  }
0x86: {  	_ =	shalt  }
0x87: {  	_ =	shalt  }
.Lfunc_end0:
.L_simem_size_0:
called_computation.1_lowered:
.L_overlay_start_0:
0x88: {  	s2 =	sld [smem:$0x3FD9]  }
0x89: {  	s3 =	sld [smem:$0x3FFE];
	_ =	sdelay $0x1  }
0x8a: {  	s1 =	srdreg.scid  }
0x8b: {  	s0 =	sand.u32 $0x1, s1  }
0x8c: {  	s17 =	sshll.u32 s0, $0xA;
	s2 =	sadd.s32 s3, s2  }
0x8d: {  	s2 =	sadd.s32 s2, s17  }
0x8e: {  	[smem:$0x3FC1] =	sst s2  }
0x8f: {  	_ = 	snop  }
0x90: {  	(tm) =	ssettm $0x1  }
0x91: {  	s18 =	sld [smem:$0x3FFB];
	_ =	sdelay $0x3  }
0x92: {  	_ =	strace s18  }
0x93: {  	s2 =	sld [smem:$0x3FFC];
	_ =	sdelay $0x3  }
0x94: {  	_ =	strace s2  }
0x95: {  	s2 =	sld [smem:$0x3FFD];
	_ =	sdelay $0x3  }
0x96: {  	_ =	strace s2  }
0x97: {  	_ =	strace $0x8FFFFFFF  }
0x98: {  	s19 =	sld [smem:$0x3FDB];
	_ =	sdelay $0x1  }
0x99: {  	s20 =	simm.s32 $_scs_section_size  }
0x9a: {  	s4 =	simm.s32 $_size__tile_overlayer_lowered;
	s5 =	simm.s32 $_tile_overlayer_lowered  }
0x9b: {  	s6 =	simm.s32 $0x1BFF;
	s21 =	sshll.u32 s5, $0x1;
	s3 =	sadd.s32 s20, s19  }
0x9c: {  	s22 =	simm.s32 $0x0;
	s4 =	sshll.u32 s4, $0x1;
	s5 =	sadd.s32 s21, s3  }
0x9d: {  	[timem:s22], [sflag:s6] =	dma.local [hbm:s5], s4  }
0x9e: {  	_ =	swait.ge [sflag:s6], s4  }
0x9f: {  	s4 =	ssub.s32 $0x0, s4;
	[sflag:s6] =	ssyncset.done $0x0  }
0xa0: {  	[sflag:s6] =	ssyncadd.s32 s4;
	_ =	sdelay $0x1  }
0xa1: {  	s23 =	simm.s32 $0x1B8B  }
0xa2: {  	_ =	swait.ge [sflag:s23], $0x1  }
0xa3: {  	[sflag:s23] =	ssyncset.done $0x0  }
0xa4: {  	[sflag:s23] =	ssyncadd.s32 $0xFFFFFFFF  }
0xa5: {  	s4 =	sld [smem:$0x0]  }
0xa6: {  	s5 =	sand.u32 $0xFFFFFFFE, s1  }
0xa7: {  	p0 =	sne.s32 s1, s5  }
0xa8: {  	s5 =	sshll.u32 @p0 s5, $0xE  }
0xa9: {  	s5 =	sadd.s32 @p0 $0x11B8D, s5;
	s6 =	sshll.u32 @p0 s4, $0x11  }
0xaa: {  	s5 =	sor.u32 @p0 s6, s5  }
0xab: {  	[sflag:s5] =	ssyncadd.remote.s32 @p0 $0x1;
	_ =	sdelay $0x1  }
0xac: {  	s5 =	simm.s32 @p0 $0x1B8D  }
0xad: {  	_ =	swait.eq @p0 [sflag:s5], $0x1  }
0xae: {  	[sflag:s5] =	ssyncadd.s32 @p0 $0xFFFFFFFF  }
0xaf: {  	s6 =	sshll.u32 @!p0 s1, $0xE  }
0xb0: {  	s6 =	sor.u32 @!p0 $0x4000, s6;
	s5 =	simm.s32 @!p0 $0x1B8D  }
0xb1: {  	s4 =	sshll.u32 @!p0 s4, $0x11;
	s6 =	sadd.s32 @!p0 $0x11B8D, s6;
	_ =	swait.eq @!p0 [sflag:s5], $0x1  }
0xb2: {  	s4 =	sor.u32 @!p0 s4, s6;
	[sflag:s5] =	ssyncadd.s32 @!p0 $0xFFFFFFFF  }
0xb3: {  	s25 =	simm.s32 $0x1B8E;
	s24 =	sld [smem:$0x3FFE];
	[sflag:s4] =	ssyncadd.remote.s32 @!p0 $0x1  }
0xb4: {  	s26 =	simm.s32 $execute0_lowered;
	[smem:$0x3FD2] =	sst s25  }
0xb5: {  	s5 =	sshll.u32 s26, $0x1;
	_ =	strace $0x8000004C;
	[dreg:$0x1] =	wrdreg $0xFFFFFFFF  }
0xb6: {  	s28 =	simm.s32 $_size_execute0_lowered;
	s3 =	sadd.s32 s3, s5;
	[dreg:$0x0] =	wrdreg $0x0  }
0xb7: {  	s5 =	sshll.u32 s28, $0x1;
	[dreg:$0x2] =	wrdreg s3  }
0xb8: {  	[dreg:$0x3] =	wrdreg s5  }
0xb9: {  	[dreg:$0x4] =	wrdreg $0xC0  }
0xba: {  	_ =	task [dreg:s22], $0x5FFFF  }
0xbb: {  	[dreg:$0x1] =	wrdreg $0xFFFFFFFF  }
0xbc: {  	[dreg:$0x0] =	wrdreg $0x60  }
0xbd: {  	[dreg:$0x2] =	wrdreg s24  }
0xbe: {  	[dreg:$0x3] =	wrdreg $0xA  }
0xbf: {  	_ =	task.clear_ibuf [dreg:s22], $0x4FFFF;
	_ =	strace $0x9000004C  }
0xc0: {  	s29 =	simm.s32 $0xA;
	_ =	strace $0x8000004E  }
0xc1: {  	_ =	swait.ge [sflag:s29], $0x1  }
0xc2: {  	[sflag:s29] =	ssyncadd.s32 $0xFFFFFFFF  }
0xc3: {  	_ =	strace $0x9000004E  }
0xc4: {  	_ =	sfence  }
0xc5: {  	s30 =	sld [smem:$0x0];
	_ =	sdelay $0x2  }
0xc6: {  	s31 =	sshll.u32 s1, $0xD;
	s1 =	sshrl.u32 s1, $0x2  }
0xc7: {  	s4 =	sand.u32 $0x4000, s31;
	s1 =	sadd.s32 s1, s30  }
0xc8: {  	s0 =	sor.u32 s4, s0;
	s1 =	sshll.u32 s1, $0x11  }
0xc9: {  	s0 =	sor.u32 s1, s0  }
0xca: {  	s0 =	sadd.s32 $0x8F2B, s0  }
0xcb: {  	[sflag:s0] =	ssyncadd.remote.s32 $0x1  }
0xcc: {  	_ =	sfence.sel $0xFFFF  }
0xcd: {  	[dreg:$0x0] =	wrdreg $0xFFFFFFFF;
	(pc) =	sbr.abs _section_cstart, $3  }
0xce: {  	[dreg:$0x1] =	wrdreg $0xFFFFFFFF  }
0xcf: {  	_ =	task.clear_ibuf [dreg:s22], $0x2FFFF;
	_ =	strace $0x9FFFFFFF  }
0xd0: {  	(tm) =	ssettm $0x7FFFFFFF  }
0xd1: {  	_ =	shalt  }
tec
execute0_lowered:
.L_overlay_start_1:
0x0: {  	(tag) =	ssettag $0x1  }
0x1: {  	s1 =	srdreg.scid  }
0x2: {  	s0 =	stileid.u32;
	s5 =	rddreg [dreg:$0x0];
	s2 =	simm.s32 $0x0  }
0x3: {  	s8 =	simm.s32 $0x2710;
	s3 =	sand.u32 $0x1, s1;
	s4 =	smul.u32 $0x30D40, s0  }
0x4: {  	s9 =	simm.s32 $0x2780;
	s10 =	simm.s32 $0x1;
	s6 =	smul.u32 $0x186A0, s3  }
0x5: {  	s11 =	simm.s32 $0x0;
	s1 =	rddreg [dreg:$0x1];
	s3 =	ssub.s32 $0x2, s3  }
0x6: {  	[smem:$0x7FF] =	sst s2;
	s30 =	sshrl.u32 s3, $0x1;
	s4 =	sadd.s32 s6, s4  }
0x7: {  	_ =	strace $0x8000004D;
	s31 =	ssub.s32 s3, s30;
	s4 =	sshrl.u32 s4, $0x3  }
0x8: {  	s3 =	sadd.s32 $0x68000, s5;
	s7 =	sadd.s32 s4, s5;
	s4 =	smax.u32 s31, $0x1  }
0x9: {  	s5 =	sadd.s32 $0x187000, s7;
	s6 =	sadd.s32 $0xC3800, s7;
	s7 =	simm.s32 $0x2  }
.LBB2_1:
0xa: {  	s12 =	sadd.s32 $0x0, s6  }
0xb: {  	[tilespmem:s2], [sflag:$0x2] =	stream.linear.gather [hbm4b:s12+s2], $0x2710, $0x38;
	[tilespmem:$0x4F00] =	vst v63  }
0xc: {  	_ =	swait.ge [sflag:s7], $0x2710  }
0xd: {  	[sflag:s7] =	ssyncset.done $0x0  }
0xe: {  	[sflag:s7] =	ssyncadd.s32 $0xFFFFD8F0  }
0xf: {  	[tilespmem:s9], [sflag:$0x1] =	stream.indirect.gather [hbm4b:s3+s8], $0x1, s2, s8, $0xb8;
	[tilespmem:$0x4F00] =	vst v63  }
0x10: {  	_ =	swait.ge [sflag:s10], $0x2710  }
0x11: {  	[sflag:s10] =	ssyncset.done $0x0  }
0x12: {  	s31 =	sadd.s32 $0x0, s5;
	[sflag:s10] =	ssyncadd.s32 $0xFFFFD8F0  }
0x13: {  	[hbm4b:s31+s2] =	stream.linear.scatter [tilespmem:s9], [sflag:$0x2], $0x2710, $0x38;
	[tilespmem:$0x4F00] =	vst v63  }
0x14: {  	_ =	swait.ge [sflag:s7], $0x2710  }
0x15: {  	s13 =	simm.s32 $0x9C4;
	s12 =	simm.s32 $0x4E2;
	[sflag:s7] =	ssyncset.done $0x0  }
.LBB2_2:
0x16: {  	s14 =	sadd.s32 s12, s6  }
0x17: {  	[sflag:s7] =	ssyncadd.s32 $0xFFFFD8F0;
	s15 =	smov.u32 s13;
	s16 =	sadd.s32 $0x4E2, s13  }
0x18: {  	[tilespmem:s2], [sflag:$0x2] =	stream.linear.gather [hbm4b:s14+s2], $0x2710, $0x38;
	[tilespmem:$0x4F00] =	vst v63  }
0x19: {  	p0 =	sne.s32 s13, $0x2BF2;
	_ =	swait.ge [sflag:s7], $0x2710  }
0x1a: {  	[sflag:s7] =	ssyncset.done $0x0  }
0x1b: {  	[sflag:s7] =	ssyncadd.s32 $0xFFFFD8F0  }
0x1c: {  	[tilespmem:s9], [sflag:$0x1] =	stream.indirect.gather [hbm4b:s3+s8], $0x1, s2, s8, $0xb8;
	[tilespmem:$0x4F00] =	vst v63  }
0x1d: {  	_ =	swait.ge [sflag:s10], $0x2710  }
.Ltmp0:
0x1e: {  	[sflag:s10] =	ssyncset.done $0x0;
	(pc) =	sbr.rel @p0 .LBB2_2-.Ltmp0, $4  }
0x1f: {  	s13 =	sadd.s32 s12, s5;
	s12 =	smov.u32 s15;
	[sflag:s10] =	ssyncadd.s32 $0xFFFFD8F0  }
0x20: {  	[hbm4b:s13+s2] =	stream.linear.scatter [tilespmem:s9], [sflag:$0x2], $0x2710, $0x38;
	[tilespmem:$0x4F00] =	vst v63  }
0x21: {  	_ =	swait.ge [sflag:s7], $0x2710  }
0x22: {  	s13 =	smov.u32 s16;
	[sflag:s7] =	ssyncset.done $0x0  }
0x23: {  	s13 =	sadd.s32 s12, s6;
	[sflag:s7] =	ssyncadd.s32 $0xFFFFD8F0  }
0x24: {  	[tilespmem:s2], [sflag:$0x2] =	stream.linear.gather [hbm4b:s13+s2], $0x2710, $0x38;
	[tilespmem:$0x4F00] =	vst v63  }
0x25: {  	_ =	swait.ge [sflag:s7], $0x2710  }
0x26: {  	[sflag:s7] =	ssyncset.done $0x0  }
0x27: {  	[sflag:s7] =	ssyncadd.s32 $0xFFFFD8F0  }
0x28: {  	[tilespmem:s9], [sflag:$0x1] =	stream.indirect.gather [hbm4b:s3+s8], $0x1, s2, s8, $0xb8;
	[tilespmem:$0x4F00] =	vst v63  }
0x29: {  	s11 =	sadd.s32 $0x1, s11;
	_ =	swait.ge [sflag:s10], $0x2710  }
0x2a: {  	p0 =	sne.s32 s11, s4;
	[sflag:s10] =	ssyncset.done $0x0  }
.Ltmp1:
0x2b: {  	s31 =	sadd.s32 s12, s5;
	[sflag:s10] =	ssyncadd.s32 $0xFFFFD8F0;
	(pc) =	sbr.rel @p0 .LBB2_1-.Ltmp1, $4  }
0x2c: {  	[hbm4b:s31+s2] =	stream.linear.scatter [tilespmem:s9], [sflag:$0x2], $0x2710, $0x38;
	[tilespmem:$0x4F00] =	vst v63  }
0x2d: {  	_ =	swait.ge [sflag:s7], $0x2710  }
0x2e: {  	[sflag:s7] =	ssyncset.done $0x0  }
0x2f: {  	[sflag:s7] =	ssyncadd.s32 $0xFFFFD8F0  }
0x30: {  	_ =	sfence.sel $0x180000  }
0x31: {  	[bflag:$0x0] =	sbarrier.arrive $0xFFFF  }
0x32: {  	p0 =	sne.s32 s0, $0x0;
	_ =	strace $0x9000004D  }
0x33: {  	s0 =	sadd.s32 @!p0 $0x100000, s1;
	[bflag:$0x2] =	sbarrier.arrive $0xFFFF  }
0x34: {  	[sflag:s0] =	ssyncadd.tile.s32 @!p0 $0x1;
	_ =	shalt  }
.Lfunc_end2:
_tile_overlayer_lowered:
.L_overlay_start_2:
0x35: {  	(tag) =	ssettag $0x2  }
0x36: {  	s0 =	rddreg [dreg:$0x0];
	s2 =	stileid.u32  }
0x37: {  	s1 =	rddreg [dreg:$0x1];
	p0 =	sne.s32 s2, $0x0  }
0x38: {  	s3 =	rddreg [dreg:$0x2];
	[bflag:$0x3] =	sbarrier.arrive $0xFFFF;
	s2 =	simm.s32 @!p0 $0x1C02  }
0x39: {  	[timem:s3], [sflag:s2] =	dma.local @!p0 [hbm:s0], s1  }
0x3a: {  	s0 =	simm.s32 @!p0 $0x2  }
0x3b: {  	_ =	swait.ge @!p0 [sflag:s0], s1  }
0x3c: {  	s1 =	ssub.s32 @!p0 $0x0, s1;
	[sflag:s0] =	ssyncset.done @!p0 $0x0  }
0x3d: {  	[sflag:s0] =	ssyncadd.s32 @!p0 s1  }
0x3e: {  	[bflag:$0x3] =	sbarrier.arrive $0xFFFF  }
0x3f: {  	_ =	shalt  }

// kernel: kernel.13.cloned.1.call-start
scs
__scs_entry_jumppad:
0x0: {  	(pc) =	sbr.rel $0x88, $3  }
0x1: {  	(tag) =	ssettag $0x0;
	lr =	simm.s32 $0x1  }
0x2: {  	[smem:$0x3F9A] =	sst lr;
	_ =	strace $0xD0000000  }
0x3: {  	_ = 	snop  }
0x4: {  	_ = 	snop  }
0x5: {  	_ = 	snop  }
0x6: {  	_ = 	snop  }
0x7: {  	_ = 	snop  }
__scs_overlays_trampoline_lowered:
0x8: {  	[smem:$0x3FA9] =	sst s0  }
0x9: {  	[smem:$0x3FAA] =	sst s1  }
0xa: {  	[smem:$0x3FAB] =	sst s2  }
0xb: {  	[smem:$0x3FAC] =	sst s3  }
0xc: {  	[smem:$0x3FAD] =	sst s4  }
0xd: {  	[smem:$0x3FAE] =	sst s5  }
0xe: {  	[smem:$0x3FAF] =	sst s6  }
0xf: {  	[smem:$0x3FB0] =	sst s7  }
0x10: {  	[smem:$0x3FB1] =	sst s8  }
0x11: {  	[smem:$0x3FB2] =	sst s9;
	s0 =	simm.s32 @!p0 $0x0  }
0x12: {  	s1 =	sld [smem:$0x3F98];
	s0 =	simm.s32 @p0 $0x1  }
0x13: {  	[smem:$0x3FB3] =	sst s0;
	s0 =	simm.s32 @!p1 $0x0  }
0x14: {  	s2 =	sld [smem:$0x3F97];
	s0 =	simm.s32 @p1 $0x1  }
0x15: {  	[smem:$0x3FB4] =	sst s0;
	s0 =	simm.s32 @!p2 $0x0  }
0x16: {  	s3 =	sld [smem:$0x3FDB];
	s0 =	simm.s32 @p2 $0x1  }
0x17: {  	s4 =	simm.s32 $0x1BF5;
	[smem:$0x3FB6] =	sst s0  }
0x18: {  	s0 =	sld [smem:$0x3F99];
	_ =	swait.ge [sflag:s4], $0x0  }
0x19: {  	s7 =	sld [smem:$0x3F9A]  }
0x1a: {  	s8 =	sadd.s32 $0xFFFFE003, lr  }
0x1b: {  	s9 =	sadd.s32 $0xFFFFFEF7, lr;
	s5 =	simm.s32 $0xFFFFFFFF;
	p2 =	slt.u32 s8, $0xFFFFF086  }
0x1c: {  	p1 =	slt.u32 s9, $0xF7A;
	s5 =	simm.s32 @!p2 $0x0  }
0x1d: {  	s5 =	simm.s32 @p1 $0x1;
	p0 =	seq.s32 s7, s2  }
0x1e: {  	s7 =	smul.u32 @!p0 $0xF7A, s2;
	p2 =	seq.s32 @!p0 s5, $0x0  }
0x1f: {  	s9 =	smul.u32 $0xF7A, s1;
	s8 =	simm.s32 @!p0 $0x1BF5;
	p2 =	por !p2, p0  }
0x20: {  	[sflag:s8] =	ssyncset.s32 @!p0 $0xFFFFF086;
	s6 =	sadd.s32 @!p0 s3, s7;
	s7 =	simm.s32 @!p0 $0x108  }
0x21: {  	s3 =	sadd.s32 s3, s9;
	s6 =	sadd.s32 @!p0 $0x88, s6;
	s7 =	simm.s32 @p2 $0x1082  }
0x22: {  	[simem:s7], [sflag:s8] =	dma.local @!p0 [hbm:s6], $0xF7A  }
0x23: {  	s9 =	sor.u32 $0xD0000000, s2;
	s6 =	simm.s32 $0x108;
	_ =	swait.ge @!p0 [sflag:s8], $0x0  }
0x24: {  	s3 =	sadd.s32 $0x88, s3;
	s6 =	simm.s32 @!p1 $0x1082;
	[sflag:s4] =	ssyncset.s32 $0xFFFFF086  }
0x25: {  	[simem:s6], [sflag:s4] =	dma.local [hbm:s3], $0xF7A  }
0x26: {  	[smem:$0x3F9A] =	sst s1;
	(tag) =	ssettag s2;
	_ =	strace s9  }
0x27: {  	s1 =	sld [smem:$0x3FAA]  }
0x28: {  	s2 =	sld [smem:$0x3FAB]  }
0x29: {  	s4 =	sld [smem:$0x3FAD]  }
0x2a: {  	p0 =	seq.s32 s5, $0x0;
	s5 =	sld [smem:$0x3FAE]  }
0x2b: {  	s6 =	sld [smem:$0x3FAF]  }
0x2c: {  	s7 =	sld [smem:$0x3FB0]  }
0x2d: {  	s3 =	simm.s32 $0x108;
	s8 =	sld [smem:$0x3FB1]  }
0x2e: {  	s3 =	simm.s32 @!p0 $0x1082;
	s9 =	sld [smem:$0x3FB2]  }
0x2f: {  	lr =	sadd.s32 s0, s3;
	s0 =	sld [smem:$0x3FA9]  }
0x30: {  	s3 =	sld [smem:$0x3FAC]  }
0x31: {  	[smem:$0x3FB5] =	sst s10  }
0x32: {  	s10 =	sld [smem:$0x3FB3];
	_ =	sdelay $0x3  }
0x33: {  	p0 =	seq.s32 s10, $0x1;
	s10 =	sld [smem:$0x3FB5];
	_ =	sdelay $0x3  }
0x34: {  	[smem:$0x3FB5] =	sst s10  }
0x35: {  	s10 =	sld [smem:$0x3FB4];
	_ =	sdelay $0x3  }
0x36: {  	p1 =	seq.s32 s10, $0x1;
	s10 =	sld [smem:$0x3FB5];
	_ =	sdelay $0x3  }
0x37: {  	[smem:$0x3FB5] =	sst s10  }
0x38: {  	s10 =	sld [smem:$0x3FB6]  }
0x39: {  	_ = 	snop;
	(pc) =	sbr.ind lr, $3  }
0x3a: {  	_ = 	snop  }
0x3b: {  	_ = 	snop  }
0x3c: {  	p2 =	seq.s32 s10, $0x1;
	s10 =	sld [smem:$0x3FB5]  }
0x3d: {  	_ =	shalt  }
0x3e: {  	_ =	shalt  }
0x3f: {  	_ =	shalt  }
0x40: {  	_ =	shalt  }
0x41: {  	_ =	shalt  }
0x42: {  	_ =	shalt  }
0x43: {  	_ =	shalt  }
0x44: {  	_ =	shalt  }
0x45: {  	_ =	shalt  }
0x46: {  	_ =	shalt  }
0x47: {  	_ =	shalt  }
0x48: {  	_ =	shalt  }
0x49: {  	_ =	shalt  }
0x4a: {  	_ =	shalt  }
0x4b: {  	_ =	shalt  }
0x4c: {  	_ =	shalt  }
0x4d: {  	_ =	shalt  }
0x4e: {  	_ =	shalt  }
0x4f: {  	_ =	shalt  }
0x50: {  	_ =	shalt  }
0x51: {  	_ =	shalt  }
0x52: {  	_ =	shalt  }
0x53: {  	_ =	shalt  }
0x54: {  	_ =	shalt  }
0x55: {  	_ =	shalt  }
0x56: {  	_ =	shalt  }
0x57: {  	_ =	shalt  }
0x58: {  	_ =	shalt  }
0x59: {  	_ =	shalt  }
0x5a: {  	_ =	shalt  }
0x5b: {  	_ =	shalt  }
0x5c: {  	_ =	shalt  }
0x5d: {  	_ =	shalt  }
0x5e: {  	_ =	shalt  }
0x5f: {  	_ =	shalt  }
0x60: {  	_ =	shalt  }
0x61: {  	_ =	shalt  }
0x62: {  	_ =	shalt  }
0x63: {  	_ =	shalt  }
0x64: {  	_ =	shalt  }
0x65: {  	_ =	shalt  }
0x66: {  	_ =	shalt  }
0x67: {  	_ =	shalt  }
0x68: {  	_ =	shalt  }
0x69: {  	_ =	shalt  }
0x6a: {  	_ =	shalt  }
0x6b: {  	_ =	shalt  }
0x6c: {  	_ =	shalt  }
0x6d: {  	_ =	shalt  }
0x6e: {  	_ =	shalt  }
0x6f: {  	_ =	shalt  }
0x70: {  	_ =	shalt  }
0x71: {  	_ =	shalt  }
0x72: {  	_ =	shalt  }
0x73: {  	_ =	shalt  }
0x74: {  	_ =	shalt  }
0x75: {  	_ =	shalt  }
0x76: {  	_ =	shalt  }
0x77: {  	_ =	shalt  }
0x78: {  	_ =	shalt  }
0x79: {  	_ =	shalt  }
0x7a: {  	_ =	shalt  }
0x7b: {  	_ =	shalt  }
0x7c: {  	_ =	shalt  }
0x7d: {  	_ =	shalt  }
0x7e: {  	_ =	shalt  }
0x7f: {  	_ =	shalt  }
0x80: {  	_ =	shalt  }
0x81: {  	_ =	shalt  }
0x82: {  	_ =	shalt  }
0x83: {  	_ =	shalt  }
0x84: {  	_ =	shalt  }
0x85: {  	_ =	shalt  }
0x86: {  	_ =	shalt  }
0x87: {  	_ =	shalt  }
.Lfunc_end0:
.L_simem_size_0:
called_computation.2_lowered:
.L_overlay_start_0:
0x88: {  	s2 =	sld [smem:$0x3FD9]  }
0x89: {  	s3 =	sld [smem:$0x3FFE];
	_ =	sdelay $0x1  }
0x8a: {  	s1 =	srdreg.scid  }
0x8b: {  	s0 =	sand.u32 $0x1, s1  }
0x8c: {  	s17 =	sshll.u32 s0, $0xA;
	s2 =	sadd.s32 s3, s2  }
0x8d: {  	s2 =	sadd.s32 s2, s17  }
0x8e: {  	[smem:$0x3FC1] =	sst s2  }
0x8f: {  	_ = 	snop  }
0x90: {  	(tm) =	ssettm $0x1  }
0x91: {  	s18 =	sld [smem:$0x3FFB];
	_ =	sdelay $0x3  }
0x92: {  	_ =	strace s18  }
0x93: {  	s2 =	sld [smem:$0x3FFC];
	_ =	sdelay $0x3  }
0x94: {  	_ =	strace s2  }
0x95: {  	s2 =	sld [smem:$0x3FFD];
	_ =	sdelay $0x3  }
0x96: {  	_ =	strace s2  }
0x97: {  	_ =	strace $0x8FFFFFFF  }
0x98: {  	s19 =	sld [smem:$0x3FDB];
	_ =	sdelay $0x1  }
0x99: {  	s20 =	simm.s32 $_scs_section_size  }
0x9a: {  	s4 =	simm.s32 $_size__tile_overlayer_lowered;
	s5 =	simm.s32 $_tile_overlayer_lowered  }
0x9b: {  	s6 =	simm.s32 $0x1BFF;
	s21 =	sshll.u32 s5, $0x1;
	s3 =	sadd.s32 s20, s19  }
0x9c: {  	s22 =	simm.s32 $0x0;
	s4 =	sshll.u32 s4, $0x1;
	s5 =	sadd.s32 s21, s3  }
0x9d: {  	[timem:s22], [sflag:s6] =	dma.local [hbm:s5], s4  }
0x9e: {  	_ =	swait.ge [sflag:s6], s4  }
0x9f: {  	s4 =	ssub.s32 $0x0, s4;
	[sflag:s6] =	ssyncset.done $0x0  }
0xa0: {  	[sflag:s6] =	ssyncadd.s32 s4;
	_ =	sdelay $0x1  }
0xa1: {  	s23 =	simm.s32 $0x1B8B  }
0xa2: {  	_ =	swait.ge [sflag:s23], $0x1  }
0xa3: {  	[sflag:s23] =	ssyncset.done $0x0  }
0xa4: {  	[sflag:s23] =	ssyncadd.s32 $0xFFFFFFFF  }
0xa5: {  	s4 =	sld [smem:$0x0]  }
0xa6: {  	s5 =	sand.u32 $0xFFFFFFFE, s1  }
0xa7: {  	p0 =	sne.s32 s1, s5  }
0xa8: {  	s5 =	sshll.u32 @p0 s5, $0xE  }
0xa9: {  	s5 =	sadd.s32 @p0 $0x11B8D, s5;
	s6 =	sshll.u32 @p0 s4, $0x11  }
0xaa: {  	s5 =	sor.u32 @p0 s6, s5  }
0xab: {  	[sflag:s5] =	ssyncadd.remote.s32 @p0 $0x1;
	_ =	sdelay $0x1  }
0xac: {  	s5 =	simm.s32 @p0 $0x1B8D  }
0xad: {  	_ =	swait.eq @p0 [sflag:s5], $0x1  }
0xae: {  	[sflag:s5] =	ssyncadd.s32 @p0 $0xFFFFFFFF  }
0xaf: {  	s6 =	sshll.u32 @!p0 s1, $0xE  }
0xb0: {  	s6 =	sor.u32 @!p0 $0x4000, s6;
	s5 =	simm.s32 @!p0 $0x1B8D  }
0xb1: {  	s4 =	sshll.u32 @!p0 s4, $0x11;
	s6 =	sadd.s32 @!p0 $0x11B8D, s6;
	_ =	swait.eq @!p0 [sflag:s5], $0x1  }
0xb2: {  	s4 =	sor.u32 @!p0 s4, s6;
	[sflag:s5] =	ssyncadd.s32 @!p0 $0xFFFFFFFF  }
0xb3: {  	s25 =	simm.s32 $0x1B8E;
	s24 =	sld [smem:$0x3FFE];
	[sflag:s4] =	ssyncadd.remote.s32 @!p0 $0x1  }
0xb4: {  	s26 =	simm.s32 $execute0_lowered;
	[smem:$0x3FD2] =	sst s25  }
0xb5: {  	s5 =	sshll.u32 s26, $0x1;
	_ =	strace $0x80000049;
	[dreg:$0x1] =	wrdreg $0xFFFFFFFF  }
0xb6: {  	s28 =	simm.s32 $_size_execute0_lowered;
	s3 =	sadd.s32 s3, s5;
	[dreg:$0x0] =	wrdreg $0x0  }
0xb7: {  	s5 =	sshll.u32 s28, $0x1;
	[dreg:$0x2] =	wrdreg s3  }
0xb8: {  	[dreg:$0x3] =	wrdreg s5  }
0xb9: {  	[dreg:$0x4] =	wrdreg $0xC0  }
0xba: {  	_ =	task [dreg:s22], $0x5FFFF  }
0xbb: {  	[dreg:$0x1] =	wrdreg $0xFFFFFFFF  }
0xbc: {  	[dreg:$0x0] =	wrdreg $0x60  }
0xbd: {  	[dreg:$0x2] =	wrdreg s24  }
0xbe: {  	[dreg:$0x3] =	wrdreg $0x9  }
0xbf: {  	_ =	task.clear_ibuf [dreg:s22], $0x4FFFF;
	_ =	strace $0x90000049  }
0xc0: {  	s29 =	simm.s32 $0x9;
	_ =	strace $0x8000004B  }
0xc1: {  	_ =	swait.ge [sflag:s29], $0x1  }
0xc2: {  	[sflag:s29] =	ssyncadd.s32 $0xFFFFFFFF  }
0xc3: {  	_ =	strace $0x9000004B  }
0xc4: {  	_ =	sfence  }
0xc5: {  	s30 =	sld [smem:$0x0];
	_ =	sdelay $0x2  }
0xc6: {  	s31 =	sshll.u32 s1, $0xD;
	s1 =	sshrl.u32 s1, $0x2  }
0xc7: {  	s4 =	sand.u32 $0x4000, s31;
	s1 =	sadd.s32 s1, s30  }
0xc8: {  	s0 =	sor.u32 s4, s0;
	s1 =	sshll.u32 s1, $0x11  }
0xc9: {  	s0 =	sor.u32 s1, s0  }
0xca: {  	s0 =	sadd.s32 $0x8F2B, s0  }
0xcb: {  	[sflag:s0] =	ssyncadd.remote.s32 $0x1  }
0xcc: {  	_ =	sfence.sel $0xFFFF  }
0xcd: {  	[dreg:$0x0] =	wrdreg $0xFFFFFFFF;
	(pc) =	sbr.abs _section_cstart, $3  }
0xce: {  	[dreg:$0x1] =	wrdreg $0xFFFFFFFF  }
0xcf: {  	_ =	task.clear_ibuf [dreg:s22], $0x2FFFF;
	_ =	strace $0x9FFFFFFF  }
0xd0: {  	(tm) =	ssettm $0x7FFFFFFF  }
0xd1: {  	_ =	shalt  }
tec
execute0_lowered:
.L_overlay_start_1:
0x0: {  	(tag) =	ssettag $0x1  }
0x1: {  	s1 =	srdreg.scid  }
0x2: {  	s0 =	stileid.u32;
	s5 =	rddreg [dreg:$0x0];
	s2 =	simm.s32 $0x0  }
0x3: {  	s8 =	simm.s32 $0x2710;
	s3 =	sand.u32 $0x1, s1;
	s4 =	smul.u32 $0x30D40, s0  }
0x4: {  	s9 =	simm.s32 $0x2780;
	s10 =	simm.s32 $0x1;
	s6 =	smul.u32 $0x186A0, s3  }
0x5: {  	s11 =	simm.s32 $0x0;
	s1 =	rddreg [dreg:$0x1];
	s3 =	ssub.s32 $0x2, s3  }
0x6: {  	[smem:$0x7FF] =	sst s2;
	s30 =	sshrl.u32 s3, $0x1;
	s4 =	sadd.s32 s6, s4  }
0x7: {  	_ =	strace $0x8000004A;
	s31 =	ssub.s32 s3, s30;
	s4 =	sshrl.u32 s4, $0x3  }
0x8: {  	s3 =	sadd.s32 $0x61C00, s5;
	s7 =	sadd.s32 s4, s5;
	s4 =	smax.u32 s31, $0x1  }
0x9: {  	s5 =	sadd.s32 $0x24A800, s7;
	s6 =	sadd.s32 $0xC3800, s7;
	s7 =	simm.s32 $0x2  }
.LBB2_1:
0xa: {  	s12 =	sadd.s32 $0x0, s6  }
0xb: {  	[tilespmem:s2], [sflag:$0x2] =	stream.linear.gather [hbm4b:s12+s2], $0x2710, $0x38;
	[tilespmem:$0x4F00] =	vst v63  }
0xc: {  	_ =	swait.ge [sflag:s7], $0x2710  }
0xd: {  	[sflag:s7] =	ssyncset.done $0x0  }
0xe: {  	[sflag:s7] =	ssyncadd.s32 $0xFFFFD8F0  }
0xf: {  	[tilespmem:s9], [sflag:$0x1] =	stream.indirect.gather [hbm4b:s3+s8], $0x1, s2, s8, $0xb8;
	[tilespmem:$0x4F00] =	vst v63  }
0x10: {  	_ =	swait.ge [sflag:s10], $0x2710  }
0x11: {  	[sflag:s10] =	ssyncset.done $0x0  }
0x12: {  	s31 =	sadd.s32 $0x0, s5;
	[sflag:s10] =	ssyncadd.s32 $0xFFFFD8F0  }
0x13: {  	[hbm4b:s31+s2] =	stream.linear.scatter [tilespmem:s9], [sflag:$0x2], $0x2710, $0x38;
	[tilespmem:$0x4F00] =	vst v63  }
0x14: {  	_ =	swait.ge [sflag:s7], $0x2710  }
0x15: {  	s13 =	simm.s32 $0x9C4;
	s12 =	simm.s32 $0x4E2;
	[sflag:s7] =	ssyncset.done $0x0  }
.LBB2_2:
0x16: {  	s14 =	sadd.s32 s12, s6  }
0x17: {  	[sflag:s7] =	ssyncadd.s32 $0xFFFFD8F0;
	s15 =	smov.u32 s13;
	s16 =	sadd.s32 $0x4E2, s13  }
0x18: {  	[tilespmem:s2], [sflag:$0x2] =	stream.linear.gather [hbm4b:s14+s2], $0x2710, $0x38;
	[tilespmem:$0x4F00] =	vst v63  }
0x19: {  	p0 =	sne.s32 s13, $0x2BF2;
	_ =	swait.ge [sflag:s7], $0x2710  }
0x1a: {  	[sflag:s7] =	ssyncset.done $0x0  }
0x1b: {  	[sflag:s7] =	ssyncadd.s32 $0xFFFFD8F0  }
0x1c: {  	[tilespmem:s9], [sflag:$0x1] =	stream.indirect.gather [hbm4b:s3+s8], $0x1, s2, s8, $0xb8;
	[tilespmem:$0x4F00] =	vst v63  }
0x1d: {  	_ =	swait.ge [sflag:s10], $0x2710  }
.Ltmp0:
0x1e: {  	[sflag:s10] =	ssyncset.done $0x0;
	(pc) =	sbr.rel @p0 .LBB2_2-.Ltmp0, $4  }
0x1f: {  	s13 =	sadd.s32 s12, s5;
	s12 =	smov.u32 s15;
	[sflag:s10] =	ssyncadd.s32 $0xFFFFD8F0  }
0x20: {  	[hbm4b:s13+s2] =	stream.linear.scatter [tilespmem:s9], [sflag:$0x2], $0x2710, $0x38;
	[tilespmem:$0x4F00] =	vst v63  }
0x21: {  	_ =	swait.ge [sflag:s7], $0x2710  }
0x22: {  	s13 =	smov.u32 s16;
	[sflag:s7] =	ssyncset.done $0x0  }
0x23: {  	s13 =	sadd.s32 s12, s6;
	[sflag:s7] =	ssyncadd.s32 $0xFFFFD8F0  }
0x24: {  	[tilespmem:s2], [sflag:$0x2] =	stream.linear.gather [hbm4b:s13+s2], $0x2710, $0x38;
	[tilespmem:$0x4F00] =	vst v63  }
0x25: {  	_ =	swait.ge [sflag:s7], $0x2710  }
0x26: {  	[sflag:s7] =	ssyncset.done $0x0  }
0x27: {  	[sflag:s7] =	ssyncadd.s32 $0xFFFFD8F0  }
0x28: {  	[tilespmem:s9], [sflag:$0x1] =	stream.indirect.gather [hbm4b:s3+s8], $0x1, s2, s8, $0xb8;
	[tilespmem:$0x4F00] =	vst v63  }
0x29: {  	s11 =	sadd.s32 $0x1, s11;
	_ =	swait.ge [sflag:s10], $0x2710  }
0x2a: {  	p0 =	sne.s32 s11, s4;
	[sflag:s10] =	ssyncset.done $0x0  }
.Ltmp1:
0x2b: {  	s31 =	sadd.s32 s12, s5;
	[sflag:s10] =	ssyncadd.s32 $0xFFFFD8F0;
	(pc) =	sbr.rel @p0 .LBB2_1-.Ltmp1, $4  }
0x2c: {  	[hbm4b:s31+s2] =	stream.linear.scatter [tilespmem:s9], [sflag:$0x2], $0x2710, $0x38;
	[tilespmem:$0x4F00] =	vst v63  }
0x2d: {  	_ =	swait.ge [sflag:s7], $0x2710  }
0x2e: {  	[sflag:s7] =	ssyncset.done $0x0  }
0x2f: {  	[sflag:s7] =	ssyncadd.s32 $0xFFFFD8F0  }
0x30: {  	_ =	sfence.sel $0x180000  }
0x31: {  	[bflag:$0x0] =	sbarrier.arrive $0xFFFF  }
0x32: {  	p0 =	sne.s32 s0, $0x0;
	_ =	strace $0x9000004A  }
0x33: {  	s0 =	sadd.s32 @!p0 $0x100000, s1;
	[bflag:$0x2] =	sbarrier.arrive $0xFFFF  }
0x34: {  	[sflag:s0] =	ssyncadd.tile.s32 @!p0 $0x1;
	_ =	shalt  }
.Lfunc_end2:
_tile_overlayer_lowered:
.L_overlay_start_2:
0x35: {  	(tag) =	ssettag $0x2  }
0x36: {  	s0 =	rddreg [dreg:$0x0];
	s2 =	stileid.u32  }
0x37: {  	s1 =	rddreg [dreg:$0x1];
	p0 =	sne.s32 s2, $0x0  }
0x38: {  	s3 =	rddreg [dreg:$0x2];
	[bflag:$0x3] =	sbarrier.arrive $0xFFFF;
	s2 =	simm.s32 @!p0 $0x1C02  }
0x39: {  	[timem:s3], [sflag:s2] =	dma.local @!p0 [hbm:s0], s1  }
0x3a: {  	s0 =	simm.s32 @!p0 $0x2  }
0x3b: {  	_ =	swait.ge @!p0 [sflag:s0], s1  }
0x3c: {  	s1 =	ssub.s32 @!p0 $0x0, s1;
	[sflag:s0] =	ssyncset.done @!p0 $0x0  }
0x3d: {  	[sflag:s0] =	ssyncadd.s32 @!p0 s1  }
0x3e: {  	[bflag:$0x3] =	sbarrier.arrive $0xFFFF  }
0x3f: {  	_ =	shalt  }

// kernel: kernel.16.cloned.1.call-start
scs
__scs_entry_jumppad:
0x0: {  	(pc) =	sbr.rel $0x88, $3  }
0x1: {  	(tag) =	ssettag $0x0;
	lr =	simm.s32 $0x1  }
0x2: {  	[smem:$0x3F9A] =	sst lr;
	_ =	strace $0xD0000000  }
0x3: {  	_ = 	snop  }
0x4: {  	_ = 	snop  }
0x5: {  	_ = 	snop  }
0x6: {  	_ = 	snop  }
0x7: {  	_ = 	snop  }
__scs_overlays_trampoline_lowered:
0x8: {  	[smem:$0x3FA9] =	sst s0  }
0x9: {  	[smem:$0x3FAA] =	sst s1  }
0xa: {  	[smem:$0x3FAB] =	sst s2  }
0xb: {  	[smem:$0x3FAC] =	sst s3  }
0xc: {  	[smem:$0x3FAD] =	sst s4  }
0xd: {  	[smem:$0x3FAE] =	sst s5  }
0xe: {  	[smem:$0x3FAF] =	sst s6  }
0xf: {  	[smem:$0x3FB0] =	sst s7  }
0x10: {  	[smem:$0x3FB1] =	sst s8  }
0x11: {  	[smem:$0x3FB2] =	sst s9;
	s0 =	simm.s32 @!p0 $0x0  }
0x12: {  	s1 =	sld [smem:$0x3F98];
	s0 =	simm.s32 @p0 $0x1  }
0x13: {  	[smem:$0x3FB3] =	sst s0;
	s0 =	simm.s32 @!p1 $0x0  }
0x14: {  	s2 =	sld [smem:$0x3F97];
	s0 =	simm.s32 @p1 $0x1  }
0x15: {  	[smem:$0x3FB4] =	sst s0;
	s0 =	simm.s32 @!p2 $0x0  }
0x16: {  	s3 =	sld [smem:$0x3FDB];
	s0 =	simm.s32 @p2 $0x1  }
0x17: {  	s4 =	simm.s32 $0x1BF5;
	[smem:$0x3FB6] =	sst s0  }
0x18: {  	s0 =	sld [smem:$0x3F99];
	_ =	swait.ge [sflag:s4], $0x0  }
0x19: {  	s7 =	sld [smem:$0x3F9A]  }
0x1a: {  	s8 =	sadd.s32 $0xFFFFE003, lr  }
0x1b: {  	s9 =	sadd.s32 $0xFFFFFEF7, lr;
	s5 =	simm.s32 $0xFFFFFFFF;
	p2 =	slt.u32 s8, $0xFFFFF086  }
0x1c: {  	p1 =	slt.u32 s9, $0xF7A;
	s5 =	simm.s32 @!p2 $0x0  }
0x1d: {  	s5 =	simm.s32 @p1 $0x1;
	p0 =	seq.s32 s7, s2  }
0x1e: {  	s7 =	smul.u32 @!p0 $0xF7A, s2;
	p2 =	seq.s32 @!p0 s5, $0x0  }
0x1f: {  	s9 =	smul.u32 $0xF7A, s1;
	s8 =	simm.s32 @!p0 $0x1BF5;
	p2 =	por !p2, p0  }
0x20: {  	[sflag:s8] =	ssyncset.s32 @!p0 $0xFFFFF086;
	s6 =	sadd.s32 @!p0 s3, s7;
	s7 =	simm.s32 @!p0 $0x108  }
0x21: {  	s3 =	sadd.s32 s3, s9;
	s6 =	sadd.s32 @!p0 $0x88, s6;
	s7 =	simm.s32 @p2 $0x1082  }
0x22: {  	[simem:s7], [sflag:s8] =	dma.local @!p0 [hbm:s6], $0xF7A  }
0x23: {  	s9 =	sor.u32 $0xD0000000, s2;
	s6 =	simm.s32 $0x108;
	_ =	swait.ge @!p0 [sflag:s8], $0x0  }
0x24: {  	s3 =	sadd.s32 $0x88, s3;
	s6 =	simm.s32 @!p1 $0x1082;
	[sflag:s4] =	ssyncset.s32 $0xFFFFF086  }
0x25: {  	[simem:s6], [sflag:s4] =	dma.local [hbm:s3], $0xF7A  }
0x26: {  	[smem:$0x3F9A] =	sst s1;
	(tag) =	ssettag s2;
	_ =	strace s9  }
0x27: {  	s1 =	sld [smem:$0x3FAA]  }
0x28: {  	s2 =	sld [smem:$0x3FAB]  }
0x29: {  	s4 =	sld [smem:$0x3FAD]  }
0x2a: {  	p0 =	seq.s32 s5, $0x0;
	s5 =	sld [smem:$0x3FAE]  }
0x2b: {  	s6 =	sld [smem:$0x3FAF]  }
0x2c: {  	s7 =	sld [smem:$0x3FB0]  }
0x2d: {  	s3 =	simm.s32 $0x108;
	s8 =	sld [smem:$0x3FB1]  }
0x2e: {  	s3 =	simm.s32 @!p0 $0x1082;
	s9 =	sld [smem:$0x3FB2]  }
0x2f: {  	lr =	sadd.s32 s0, s3;
	s0 =	sld [smem:$0x3FA9]  }
0x30: {  	s3 =	sld [smem:$0x3FAC]  }
0x31: {  	[smem:$0x3FB5] =	sst s10  }
0x32: {  	s10 =	sld [smem:$0x3FB3];
	_ =	sdelay $0x3  }
0x33: {  	p0 =	seq.s32 s10, $0x1;
	s10 =	sld [smem:$0x3FB5];
	_ =	sdelay $0x3  }
0x34: {  	[smem:$0x3FB5] =	sst s10  }
0x35: {  	s10 =	sld [smem:$0x3FB4];
	_ =	sdelay $0x3  }
0x36: {  	p1 =	seq.s32 s10, $0x1;
	s10 =	sld [smem:$0x3FB5];
	_ =	sdelay $0x3  }
0x37: {  	[smem:$0x3FB5] =	sst s10  }
0x38: {  	s10 =	sld [smem:$0x3FB6]  }
0x39: {  	_ = 	snop;
	(pc) =	sbr.ind lr, $3  }
0x3a: {  	_ = 	snop  }
0x3b: {  	_ = 	snop  }
0x3c: {  	p2 =	seq.s32 s10, $0x1;
	s10 =	sld [smem:$0x3FB5]  }
0x3d: {  	_ =	shalt  }
0x3e: {  	_ =	shalt  }
0x3f: {  	_ =	shalt  }
0x40: {  	_ =	shalt  }
0x41: {  	_ =	shalt  }
0x42: {  	_ =	shalt  }
0x43: {  	_ =	shalt  }
0x44: {  	_ =	shalt  }
0x45: {  	_ =	shalt  }
0x46: {  	_ =	shalt  }
0x47: {  	_ =	shalt  }
0x48: {  	_ =	shalt  }
0x49: {  	_ =	shalt  }
0x4a: {  	_ =	shalt  }
0x4b: {  	_ =	shalt  }
0x4c: {  	_ =	shalt  }
0x4d: {  	_ =	shalt  }
0x4e: {  	_ =	shalt  }
0x4f: {  	_ =	shalt  }
0x50: {  	_ =	shalt  }
0x51: {  	_ =	shalt  }
0x52: {  	_ =	shalt  }
0x53: {  	_ =	shalt  }
0x54: {  	_ =	shalt  }
0x55: {  	_ =	shalt  }
0x56: {  	_ =	shalt  }
0x57: {  	_ =	shalt  }
0x58: {  	_ =	shalt  }
0x59: {  	_ =	shalt  }
0x5a: {  	_ =	shalt  }
0x5b: {  	_ =	shalt  }
0x5c: {  	_ =	shalt  }
0x5d: {  	_ =	shalt  }
0x5e: {  	_ =	shalt  }
0x5f: {  	_ =	shalt  }
0x60: {  	_ =	shalt  }
0x61: {  	_ =	shalt  }
0x62: {  	_ =	shalt  }
0x63: {  	_ =	shalt  }
0x64: {  	_ =	shalt  }
0x65: {  	_ =	shalt  }
0x66: {  	_ =	shalt  }
0x67: {  	_ =	shalt  }
0x68: {  	_ =	shalt  }
0x69: {  	_ =	shalt  }
0x6a: {  	_ =	shalt  }
0x6b: {  	_ =	shalt  }
0x6c: {  	_ =	shalt  }
0x6d: {  	_ =	shalt  }
0x6e: {  	_ =	shalt  }
0x6f: {  	_ =	shalt  }
0x70: {  	_ =	shalt  }
0x71: {  	_ =	shalt  }
0x72: {  	_ =	shalt  }
0x73: {  	_ =	shalt  }
0x74: {  	_ =	shalt  }
0x75: {  	_ =	shalt  }
0x76: {  	_ =	shalt  }
0x77: {  	_ =	shalt  }
0x78: {  	_ =	shalt  }
0x79: {  	_ =	shalt  }
0x7a: {  	_ =	shalt  }
0x7b: {  	_ =	shalt  }
0x7c: {  	_ =	shalt  }
0x7d: {  	_ =	shalt  }
0x7e: {  	_ =	shalt  }
0x7f: {  	_ =	shalt  }
0x80: {  	_ =	shalt  }
0x81: {  	_ =	shalt  }
0x82: {  	_ =	shalt  }
0x83: {  	_ =	shalt  }
0x84: {  	_ =	shalt  }
0x85: {  	_ =	shalt  }
0x86: {  	_ =	shalt  }
0x87: {  	_ =	shalt  }
.Lfunc_end0:
.L_simem_size_0:
called_computation.3_lowered:
.L_overlay_start_0:
0x88: {  	s2 =	sld [smem:$0x3FD9]  }
0x89: {  	s3 =	sld [smem:$0x3FFE];
	_ =	sdelay $0x1  }
0x8a: {  	s1 =	srdreg.scid  }
0x8b: {  	s0 =	sand.u32 $0x1, s1  }
0x8c: {  	s16 =	sshll.u32 s0, $0xA;
	s2 =	sadd.s32 s3, s2  }
0x8d: {  	s2 =	sadd.s32 s2, s16  }
0x8e: {  	[smem:$0x3FC1] =	sst s2  }
0x8f: {  	_ = 	snop  }
0x90: {  	(tm) =	ssettm $0x1  }
0x91: {  	s17 =	sld [smem:$0x3FFB];
	_ =	sdelay $0x3  }
0x92: {  	_ =	strace s17  }
0x93: {  	s2 =	sld [smem:$0x3FFC];
	_ =	sdelay $0x3  }
0x94: {  	_ =	strace s2  }
0x95: {  	s2 =	sld [smem:$0x3FFD];
	_ =	sdelay $0x3  }
0x96: {  	_ =	strace s2  }
0x97: {  	_ =	strace $0x8FFFFFFF  }
0x98: {  	s18 =	sld [smem:$0x3FDB];
	_ =	sdelay $0x1  }
0x99: {  	s19 =	simm.s32 $_scs_section_size  }
0x9a: {  	s4 =	simm.s32 $_size__tile_overlayer_lowered;
	s5 =	simm.s32 $_tile_overlayer_lowered  }
0x9b: {  	s22 =	simm.s32 $0x1BFF;
	s21 =	sshll.u32 s5, $0x1;
	s2 =	sadd.s32 s19, s18  }
0x9c: {  	s6 =	simm.s32 $0x0;
	s20 =	sshll.u32 s4, $0x1;
	s4 =	sadd.s32 s21, s2  }
0x9d: {  	[timem:s6], [sflag:s22] =	dma.local [hbm:s4], s20  }
0x9e: {  	_ =	swait.ge [sflag:s22], s20  }
0x9f: {  	s3 =	ssub.s32 $0x0, s20;
	[sflag:s22] =	ssyncset.done $0x0  }
0xa0: {  	[sflag:s22] =	ssyncadd.s32 s3;
	_ =	sdelay $0x1  }
0xa1: {  	s23 =	simm.s32 $0x1B8B  }
0xa2: {  	_ =	swait.ge [sflag:s23], $0x1  }
0xa3: {  	[sflag:s23] =	ssyncset.done $0x0  }
0xa4: {  	s25 =	simm.s32 $0x1B8E;
	s24 =	sld [smem:$0x3FFE];
	[sflag:s23] =	ssyncadd.s32 $0xFFFFFFFF  }
0xa5: {  	s26 =	simm.s32 $execute0_lowered;
	[smem:$0x3FD2] =	sst s25  }
0xa6: {  	s4 =	sshll.u32 s26, $0x1;
	_ =	strace $0x8000004F;
	[dreg:$0x1] =	wrdreg $0xFFFFFFFF  }
0xa7: {  	s28 =	simm.s32 $_size_execute0_lowered;
	s2 =	sadd.s32 s2, s4;
	[dreg:$0x0] =	wrdreg $0x0  }
0xa8: {  	s4 =	sshll.u32 s28, $0x1;
	[dreg:$0x2] =	wrdreg s2  }
0xa9: {  	[dreg:$0x3] =	wrdreg s4  }
0xaa: {  	[dreg:$0x4] =	wrdreg $0xC0  }
0xab: {  	_ =	task [dreg:s6], $0x5FFFF  }
0xac: {  	[dreg:$0x1] =	wrdreg $0xFFFFFFFF  }
0xad: {  	[dreg:$0x0] =	wrdreg $0x60  }
0xae: {  	[dreg:$0x2] =	wrdreg s24  }
0xaf: {  	[dreg:$0x3] =	wrdreg $0x9  }
0xb0: {  	_ =	task.clear_ibuf [dreg:s6], $0x4FFFF;
	_ =	strace $0x9000004F  }
0xb1: {  	s29 =	simm.s32 $0x9;
	_ =	strace $0x80000051  }
0xb2: {  	_ =	swait.ge [sflag:s29], $0x1  }
0xb3: {  	[sflag:s29] =	ssyncadd.s32 $0xFFFFFFFF  }
0xb4: {  	_ =	strace $0x90000051  }
0xb5: {  	_ =	sfence  }
0xb6: {  	s30 =	sld [smem:$0x0];
	_ =	sdelay $0x2  }
0xb7: {  	s31 =	sshll.u32 s1, $0xD;
	s1 =	sshrl.u32 s1, $0x2  }
0xb8: {  	s3 =	sand.u32 $0x4000, s31;
	s1 =	sadd.s32 s1, s30  }
0xb9: {  	s0 =	sor.u32 s3, s0;
	s1 =	sshll.u32 s1, $0x11  }
0xba: {  	s0 =	sor.u32 s1, s0  }
0xbb: {  	s0 =	sadd.s32 $0x8F2B, s0  }
0xbc: {  	[sflag:s0] =	ssyncadd.remote.s32 $0x1  }
0xbd: {  	_ =	sfence.sel $0xFFFF  }
0xbe: {  	[dreg:$0x0] =	wrdreg $0xFFFFFFFF;
	(pc) =	sbr.abs _section_cstart, $3  }
0xbf: {  	[dreg:$0x1] =	wrdreg $0xFFFFFFFF  }
0xc0: {  	_ =	task.clear_ibuf [dreg:s6], $0x2FFFF;
	_ =	strace $0x9FFFFFFF  }
0xc1: {  	(tm) =	ssettm $0x7FFFFFFF  }
tec
execute0_lowered:
.L_overlay_start_1:
0x0: {  	(tag) =	ssettag $0x1  }
0x1: {  	s1 =	srdreg.scid  }
0x2: {  	s0 =	stileid.u32;
	s5 =	rddreg [dreg:$0x0];
	s2 =	simm.s32 $0x0  }
0x3: {  	s8 =	simm.s32 $0x2710;
	s3 =	sand.u32 $0x1, s1;
	s4 =	smul.u32 $0x30D40, s0  }
0x4: {  	s9 =	simm.s32 $0x2780;
	s10 =	simm.s32 $0x1;
	s6 =	smul.u32 $0x186A0, s3  }
0x5: {  	s11 =	simm.s32 $0x0;
	s1 =	rddreg [dreg:$0x1];
	s3 =	ssub.s32 $0x2, s3  }
0x6: {  	[smem:$0x7FF] =	sst s2;
	s30 =	sshrl.u32 s3, $0x1;
	s4 =	sadd.s32 s6, s4  }
0x7: {  	_ =	strace $0x80000050;
	s31 =	ssub.s32 s3, s30;
	s4 =	sshrl.u32 s4, $0x3  }
0x8: {  	s3 =	sadd.s32 $0x1E8C00, s5;
	s7 =	sadd.s32 s4, s5;
	s4 =	smax.u32 s31, $0x1  }
0x9: {  	s5 =	sadd.s32 $0x187000, s7;
	s6 =	sadd.s32 $0x66A00, s7;
	s7 =	simm.s32 $0x2  }
.LBB2_1:
0xa: {  	s12 =	sadd.s32 $0x0, s6  }
0xb: {  	[tilespmem:s2], [sflag:$0x2] =	stream.linear.gather [hbm4b:s12+s2], $0x2710, $0x38;
	[tilespmem:$0x4F00] =	vst v63  }
0xc: {  	_ =	swait.ge [sflag:s7], $0x2710  }
0xd: {  	[sflag:s7] =	ssyncset.done $0x0  }
0xe: {  	[sflag:s7] =	ssyncadd.s32 $0xFFFFD8F0  }
0xf: {  	[tilespmem:s9], [sflag:$0x1] =	stream.indirect.gather [hbm4b:s3+s8], $0x1, s2, s8, $0xb8;
	[tilespmem:$0x4F00] =	vst v63  }
0x10: {  	_ =	swait.ge [sflag:s10], $0x2710  }
0x11: {  	[sflag:s10] =	ssyncset.done $0x0  }
0x12: {  	s31 =	sadd.s32 $0x0, s5;
	[sflag:s10] =	ssyncadd.s32 $0xFFFFD8F0  }
0x13: {  	[hbm4b:s31+s2] =	stream.linear.scatter [tilespmem:s9], [sflag:$0x2], $0x2710, $0x38;
	[tilespmem:$0x4F00] =	vst v63  }
0x14: {  	_ =	swait.ge [sflag:s7], $0x2710  }
0x15: {  	s13 =	simm.s32 $0x9C4;
	s12 =	simm.s32 $0x4E2;
	[sflag:s7] =	ssyncset.done $0x0  }
.LBB2_2:
0x16: {  	s14 =	sadd.s32 s12, s6  }
0x17: {  	[sflag:s7] =	ssyncadd.s32 $0xFFFFD8F0;
	s15 =	smov.u32 s13;
	s16 =	sadd.s32 $0x4E2, s13  }
0x18: {  	[tilespmem:s2], [sflag:$0x2] =	stream.linear.gather [hbm4b:s14+s2], $0x2710, $0x38;
	[tilespmem:$0x4F00] =	vst v63  }
0x19: {  	p0 =	sne.s32 s13, $0x2BF2;
	_ =	swait.ge [sflag:s7], $0x2710  }
0x1a: {  	[sflag:s7] =	ssyncset.done $0x0  }
0x1b: {  	[sflag:s7] =	ssyncadd.s32 $0xFFFFD8F0  }
0x1c: {  	[tilespmem:s9], [sflag:$0x1] =	stream.indirect.gather [hbm4b:s3+s8], $0x1, s2, s8, $0xb8;
	[tilespmem:$0x4F00] =	vst v63  }
0x1d: {  	_ =	swait.ge [sflag:s10], $0x2710  }
.Ltmp0:
0x1e: {  	[sflag:s10] =	ssyncset.done $0x0;
	(pc) =	sbr.rel @p0 .LBB2_2-.Ltmp0, $4  }
0x1f: {  	s13 =	sadd.s32 s12, s5;
	s12 =	smov.u32 s15;
	[sflag:s10] =	ssyncadd.s32 $0xFFFFD8F0  }
0x20: {  	[hbm4b:s13+s2] =	stream.linear.scatter [tilespmem:s9], [sflag:$0x2], $0x2710, $0x38;
	[tilespmem:$0x4F00] =	vst v63  }
0x21: {  	_ =	swait.ge [sflag:s7], $0x2710  }
0x22: {  	s13 =	smov.u32 s16;
	[sflag:s7] =	ssyncset.done $0x0  }
0x23: {  	s13 =	sadd.s32 s12, s6;
	[sflag:s7] =	ssyncadd.s32 $0xFFFFD8F0  }
0x24: {  	[tilespmem:s2], [sflag:$0x2] =	stream.linear.gather [hbm4b:s13+s2], $0x2710, $0x38;
	[tilespmem:$0x4F00] =	vst v63  }
0x25: {  	_ =	swait.ge [sflag:s7], $0x2710  }
0x26: {  	[sflag:s7] =	ssyncset.done $0x0  }
0x27: {  	[sflag:s7] =	ssyncadd.s32 $0xFFFFD8F0  }
0x28: {  	[tilespmem:s9], [sflag:$0x1] =	stream.indirect.gather [hbm4b:s3+s8], $0x1, s2, s8, $0xb8;
	[tilespmem:$0x4F00] =	vst v63  }
0x29: {  	s11 =	sadd.s32 $0x1, s11;
	_ =	swait.ge [sflag:s10], $0x2710  }
0x2a: {  	p0 =	sne.s32 s11, s4;
	[sflag:s10] =	ssyncset.done $0x0  }
.Ltmp1:
0x2b: {  	s31 =	sadd.s32 s12, s5;
	[sflag:s10] =	ssyncadd.s32 $0xFFFFD8F0;
	(pc) =	sbr.rel @p0 .LBB2_1-.Ltmp1, $4  }
0x2c: {  	[hbm4b:s31+s2] =	stream.linear.scatter [tilespmem:s9], [sflag:$0x2], $0x2710, $0x38;
	[tilespmem:$0x4F00] =	vst v63  }
0x2d: {  	_ =	swait.ge [sflag:s7], $0x2710  }
0x2e: {  	[sflag:s7] =	ssyncset.done $0x0  }
0x2f: {  	[sflag:s7] =	ssyncadd.s32 $0xFFFFD8F0  }
0x30: {  	_ =	sfence.sel $0x180000  }
0x31: {  	[bflag:$0x0] =	sbarrier.arrive $0xFFFF  }
0x32: {  	p0 =	sne.s32 s0, $0x0;
	_ =	strace $0x90000050  }
0x33: {  	s0 =	sadd.s32 @!p0 $0x100000, s1;
	[bflag:$0x2] =	sbarrier.arrive $0xFFFF  }
0x34: {  	[sflag:s0] =	ssyncadd.tile.s32 @!p0 $0x1;
	_ =	shalt  }
.Lfunc_end2:
_tile_overlayer_lowered:
.L_overlay_start_2:
0x35: {  	(tag) =	ssettag $0x2  }
0x36: {  	s0 =	rddreg [dreg:$0x0];
	s2 =	stileid.u32  }
0x37: {  	s1 =	rddreg [dreg:$0x1];
	p0 =	sne.s32 s2, $0x0  }
0x38: {  	s3 =	rddreg [dreg:$0x2];
	[bflag:$0x3] =	sbarrier.arrive $0xFFFF;
	s2 =	simm.s32 @!p0 $0x1C02  }
0x39: {  	[timem:s3], [sflag:s2] =	dma.local @!p0 [hbm:s0], s1  }
0x3a: {  	s0 =	simm.s32 @!p0 $0x2  }
0x3b: {  	_ =	swait.ge @!p0 [sflag:s0], s1  }
0x3c: {  	s1 =	ssub.s32 @!p0 $0x0, s1;
	[sflag:s0] =	ssyncset.done @!p0 $0x0  }
0x3d: {  	[sflag:s0] =	ssyncadd.s32 @!p0 s1  }
0x3e: {  	[bflag:$0x3] =	sbarrier.arrive $0xFFFF  }
0x3f: {  	_ =	shalt  }

// kernel: kernel.19.cloned.1.call-start
scs
__scs_entry_jumppad:
0x0: {  	(pc) =	sbr.rel $0x88, $3  }
0x1: {  	(tag) =	ssettag $0x0;
	lr =	simm.s32 $0x1  }
0x2: {  	[smem:$0x3F9A] =	sst lr;
	_ =	strace $0xD0000000  }
0x3: {  	_ = 	snop  }
0x4: {  	_ = 	snop  }
0x5: {  	_ = 	snop  }
0x6: {  	_ = 	snop  }
0x7: {  	_ = 	snop  }
__scs_overlays_trampoline_lowered:
0x8: {  	[smem:$0x3FA9] =	sst s0  }
0x9: {  	[smem:$0x3FAA] =	sst s1  }
0xa: {  	[smem:$0x3FAB] =	sst s2  }
0xb: {  	[smem:$0x3FAC] =	sst s3  }
0xc: {  	[smem:$0x3FAD] =	sst s4  }
0xd: {  	[smem:$0x3FAE] =	sst s5  }
0xe: {  	[smem:$0x3FAF] =	sst s6  }
0xf: {  	[smem:$0x3FB0] =	sst s7  }
0x10: {  	[smem:$0x3FB1] =	sst s8  }
0x11: {  	[smem:$0x3FB2] =	sst s9;
	s0 =	simm.s32 @!p0 $0x0  }
0x12: {  	s1 =	sld [smem:$0x3F98];
	s0 =	simm.s32 @p0 $0x1  }
0x13: {  	[smem:$0x3FB3] =	sst s0;
	s0 =	simm.s32 @!p1 $0x0  }
0x14: {  	s2 =	sld [smem:$0x3F97];
	s0 =	simm.s32 @p1 $0x1  }
0x15: {  	[smem:$0x3FB4] =	sst s0;
	s0 =	simm.s32 @!p2 $0x0  }
0x16: {  	s3 =	sld [smem:$0x3FDB];
	s0 =	simm.s32 @p2 $0x1  }
0x17: {  	s4 =	simm.s32 $0x1BF5;
	[smem:$0x3FB6] =	sst s0  }
0x18: {  	s0 =	sld [smem:$0x3F99];
	_ =	swait.ge [sflag:s4], $0x0  }
0x19: {  	s7 =	sld [smem:$0x3F9A]  }
0x1a: {  	s8 =	sadd.s32 $0xFFFFE003, lr  }
0x1b: {  	s9 =	sadd.s32 $0xFFFFFEF7, lr;
	s5 =	simm.s32 $0xFFFFFFFF;
	p2 =	slt.u32 s8, $0xFFFFF086  }
0x1c: {  	p1 =	slt.u32 s9, $0xF7A;
	s5 =	simm.s32 @!p2 $0x0  }
0x1d: {  	s5 =	simm.s32 @p1 $0x1;
	p0 =	seq.s32 s7, s2  }
0x1e: {  	s7 =	smul.u32 @!p0 $0xF7A, s2;
	p2 =	seq.s32 @!p0 s5, $0x0  }
0x1f: {  	s9 =	smul.u32 $0xF7A, s1;
	s8 =	simm.s32 @!p0 $0x1BF5;
	p2 =	por !p2, p0  }
0x20: {  	[sflag:s8] =	ssyncset.s32 @!p0 $0xFFFFF086;
	s6 =	sadd.s32 @!p0 s3, s7;
	s7 =	simm.s32 @!p0 $0x108  }
0x21: {  	s3 =	sadd.s32 s3, s9;
	s6 =	sadd.s32 @!p0 $0x88, s6;
	s7 =	simm.s32 @p2 $0x1082  }
0x22: {  	[simem:s7], [sflag:s8] =	dma.local @!p0 [hbm:s6], $0xF7A  }
0x23: {  	s9 =	sor.u32 $0xD0000000, s2;
	s6 =	simm.s32 $0x108;
	_ =	swait.ge @!p0 [sflag:s8], $0x0  }
0x24: {  	s3 =	sadd.s32 $0x88, s3;
	s6 =	simm.s32 @!p1 $0x1082;
	[sflag:s4] =	ssyncset.s32 $0xFFFFF086  }
0x25: {  	[simem:s6], [sflag:s4] =	dma.local [hbm:s3], $0xF7A  }
0x26: {  	[smem:$0x3F9A] =	sst s1;
	(tag) =	ssettag s2;
	_ =	strace s9  }
0x27: {  	s1 =	sld [smem:$0x3FAA]  }
0x28: {  	s2 =	sld [smem:$0x3FAB]  }
0x29: {  	s4 =	sld [smem:$0x3FAD]  }
0x2a: {  	p0 =	seq.s32 s5, $0x0;
	s5 =	sld [smem:$0x3FAE]  }
0x2b: {  	s6 =	sld [smem:$0x3FAF]  }
0x2c: {  	s7 =	sld [smem:$0x3FB0]  }
0x2d: {  	s3 =	simm.s32 $0x108;
	s8 =	sld [smem:$0x3FB1]  }
0x2e: {  	s3 =	simm.s32 @!p0 $0x1082;
	s9 =	sld [smem:$0x3FB2]  }
0x2f: {  	lr =	sadd.s32 s0, s3;
	s0 =	sld [smem:$0x3FA9]  }
0x30: {  	s3 =	sld [smem:$0x3FAC]  }
0x31: {  	[smem:$0x3FB5] =	sst s10  }
0x32: {  	s10 =	sld [smem:$0x3FB3];
	_ =	sdelay $0x3  }
0x33: {  	p0 =	seq.s32 s10, $0x1;
	s10 =	sld [smem:$0x3FB5];
	_ =	sdelay $0x3  }
0x34: {  	[smem:$0x3FB5] =	sst s10  }
0x35: {  	s10 =	sld [smem:$0x3FB4];
	_ =	sdelay $0x3  }
0x36: {  	p1 =	seq.s32 s10, $0x1;
	s10 =	sld [smem:$0x3FB5];
	_ =	sdelay $0x3  }
0x37: {  	[smem:$0x3FB5] =	sst s10  }
0x38: {  	s10 =	sld [smem:$0x3FB6]  }
0x39: {  	_ = 	snop;
	(pc) =	sbr.ind lr, $3  }
0x3a: {  	_ = 	snop  }
0x3b: {  	_ = 	snop  }
0x3c: {  	p2 =	seq.s32 s10, $0x1;
	s10 =	sld [smem:$0x3FB5]  }
0x3d: {  	_ =	shalt  }
0x3e: {  	_ =	shalt  }
0x3f: {  	_ =	shalt  }
0x40: {  	_ =	shalt  }
0x41: {  	_ =	shalt  }
0x42: {  	_ =	shalt  }
0x43: {  	_ =	shalt  }
0x44: {  	_ =	shalt  }
0x45: {  	_ =	shalt  }
0x46: {  	_ =	shalt  }
0x47: {  	_ =	shalt  }
0x48: {  	_ =	shalt  }
0x49: {  	_ =	shalt  }
0x4a: {  	_ =	shalt  }
0x4b: {  	_ =	shalt  }
0x4c: {  	_ =	shalt  }
0x4d: {  	_ =	shalt  }
0x4e: {  	_ =	shalt  }
0x4f: {  	_ =	shalt  }
0x50: {  	_ =	shalt  }
0x51: {  	_ =	shalt  }
0x52: {  	_ =	shalt  }
0x53: {  	_ =	shalt  }
0x54: {  	_ =	shalt  }
0x55: {  	_ =	shalt  }
0x56: {  	_ =	shalt  }
0x57: {  	_ =	shalt  }
0x58: {  	_ =	shalt  }
0x59: {  	_ =	shalt  }
0x5a: {  	_ =	shalt  }
0x5b: {  	_ =	shalt  }
0x5c: {  	_ =	shalt  }
0x5d: {  	_ =	shalt  }
0x5e: {  	_ =	shalt  }
0x5f: {  	_ =	shalt  }
0x60: {  	_ =	shalt  }
0x61: {  	_ =	shalt  }
0x62: {  	_ =	shalt  }
0x63: {  	_ =	shalt  }
0x64: {  	_ =	shalt  }
0x65: {  	_ =	shalt  }
0x66: {  	_ =	shalt  }
0x67: {  	_ =	shalt  }
0x68: {  	_ =	shalt  }
0x69: {  	_ =	shalt  }
0x6a: {  	_ =	shalt  }
0x6b: {  	_ =	shalt  }
0x6c: {  	_ =	shalt  }
0x6d: {  	_ =	shalt  }
0x6e: {  	_ =	shalt  }
0x6f: {  	_ =	shalt  }
0x70: {  	_ =	shalt  }
0x71: {  	_ =	shalt  }
0x72: {  	_ =	shalt  }
0x73: {  	_ =	shalt  }
0x74: {  	_ =	shalt  }
0x75: {  	_ =	shalt  }
0x76: {  	_ =	shalt  }
0x77: {  	_ =	shalt  }
0x78: {  	_ =	shalt  }
0x79: {  	_ =	shalt  }
0x7a: {  	_ =	shalt  }
0x7b: {  	_ =	shalt  }
0x7c: {  	_ =	shalt  }
0x7d: {  	_ =	shalt  }
0x7e: {  	_ =	shalt  }
0x7f: {  	_ =	shalt  }
0x80: {  	_ =	shalt  }
0x81: {  	_ =	shalt  }
0x82: {  	_ =	shalt  }
0x83: {  	_ =	shalt  }
0x84: {  	_ =	shalt  }
0x85: {  	_ =	shalt  }
0x86: {  	_ =	shalt  }
0x87: {  	_ =	shalt  }
.Lfunc_end0:
.L_simem_size_0:
called_computation.4_lowered:
.L_overlay_start_0:
0x88: {  	s2 =	sld [smem:$0x3FD9]  }
0x89: {  	s3 =	sld [smem:$0x3FFE];
	_ =	sdelay $0x1  }
0x8a: {  	s1 =	srdreg.scid  }
0x8b: {  	s0 =	sand.u32 $0x1, s1  }
0x8c: {  	s16 =	sshll.u32 s0, $0xA;
	s2 =	sadd.s32 s3, s2  }
0x8d: {  	s2 =	sadd.s32 s2, s16  }
0x8e: {  	[smem:$0x3FC1] =	sst s2  }
0x8f: {  	_ = 	snop  }
0x90: {  	(tm) =	ssettm $0x1  }
0x91: {  	s17 =	sld [smem:$0x3FFB];
	_ =	sdelay $0x3  }
0x92: {  	_ =	strace s17  }
0x93: {  	s2 =	sld [smem:$0x3FFC];
	_ =	sdelay $0x3  }
0x94: {  	_ =	strace s2  }
0x95: {  	s2 =	sld [smem:$0x3FFD];
	_ =	sdelay $0x3  }
0x96: {  	_ =	strace s2  }
0x97: {  	_ =	strace $0x8FFFFFFF  }
0x98: {  	s18 =	sld [smem:$0x3FDB];
	_ =	sdelay $0x1  }
0x99: {  	s19 =	simm.s32 $_scs_section_size  }
0x9a: {  	s4 =	simm.s32 $_size__tile_overlayer_lowered;
	s5 =	simm.s32 $_tile_overlayer_lowered  }
0x9b: {  	s22 =	simm.s32 $0x1BFF;
	s21 =	sshll.u32 s5, $0x1;
	s2 =	sadd.s32 s19, s18  }
0x9c: {  	s6 =	simm.s32 $0x0;
	s20 =	sshll.u32 s4, $0x1;
	s4 =	sadd.s32 s21, s2  }
0x9d: {  	[timem:s6], [sflag:s22] =	dma.local [hbm:s4], s20  }
0x9e: {  	_ =	swait.ge [sflag:s22], s20  }
0x9f: {  	s3 =	ssub.s32 $0x0, s20;
	[sflag:s22] =	ssyncset.done $0x0  }
0xa0: {  	[sflag:s22] =	ssyncadd.s32 s3;
	_ =	sdelay $0x1  }
0xa1: {  	s23 =	simm.s32 $0x1B8B  }
0xa2: {  	_ =	swait.ge [sflag:s23], $0x1  }
0xa3: {  	[sflag:s23] =	ssyncset.done $0x0  }
0xa4: {  	s25 =	simm.s32 $0x1B8E;
	s24 =	sld [smem:$0x3FFE];
	[sflag:s23] =	ssyncadd.s32 $0xFFFFFFFF  }
0xa5: {  	s26 =	simm.s32 $execute0_lowered;
	[smem:$0x3FD2] =	sst s25  }
0xa6: {  	s4 =	sshll.u32 s26, $0x1;
	_ =	strace $0x80000052;
	[dreg:$0x1] =	wrdreg $0xFFFFFFFF  }
0xa7: {  	s28 =	simm.s32 $_size_execute0_lowered;
	s2 =	sadd.s32 s2, s4;
	[dreg:$0x0] =	wrdreg $0x0  }
0xa8: {  	s4 =	sshll.u32 s28, $0x1;
	[dreg:$0x2] =	wrdreg s2  }
0xa9: {  	[dreg:$0x3] =	wrdreg s4  }
0xaa: {  	[dreg:$0x4] =	wrdreg $0xC0  }
0xab: {  	_ =	task [dreg:s6], $0x5FFFF  }
0xac: {  	[dreg:$0x1] =	wrdreg $0xFFFFFFFF  }
0xad: {  	[dreg:$0x0] =	wrdreg $0x60  }
0xae: {  	[dreg:$0x2] =	wrdreg s24  }
0xaf: {  	[dreg:$0x3] =	wrdreg $0x9  }
0xb0: {  	_ =	task.clear_ibuf [dreg:s6], $0x4FFFF;
	_ =	strace $0x90000052  }
0xb1: {  	s29 =	simm.s32 $0x9;
	_ =	strace $0x80000054  }
0xb2: {  	_ =	swait.ge [sflag:s29], $0x1  }
0xb3: {  	[sflag:s29] =	ssyncadd.s32 $0xFFFFFFFF  }
0xb4: {  	_ =	strace $0x90000054  }
0xb5: {  	_ =	sfence  }
0xb6: {  	s30 =	sld [smem:$0x0];
	_ =	sdelay $0x2  }
0xb7: {  	s31 =	sshll.u32 s1, $0xD;
	s1 =	sshrl.u32 s1, $0x2  }
0xb8: {  	s3 =	sand.u32 $0x4000, s31;
	s1 =	sadd.s32 s1, s30  }
0xb9: {  	s0 =	sor.u32 s3, s0;
	s1 =	sshll.u32 s1, $0x11  }
0xba: {  	s0 =	sor.u32 s1, s0  }
0xbb: {  	s0 =	sadd.s32 $0x8F2B, s0  }
0xbc: {  	[sflag:s0] =	ssyncadd.remote.s32 $0x1  }
0xbd: {  	_ =	sfence.sel $0xFFFF  }
0xbe: {  	[dreg:$0x0] =	wrdreg $0xFFFFFFFF;
	(pc) =	sbr.abs _section_cstart, $3  }
0xbf: {  	[dreg:$0x1] =	wrdreg $0xFFFFFFFF  }
0xc0: {  	_ =	task.clear_ibuf [dreg:s6], $0x2FFFF;
	_ =	strace $0x9FFFFFFF  }
0xc1: {  	(tm) =	ssettm $0x7FFFFFFF  }
tec
execute0_lowered:
.L_overlay_start_1:
0x0: {  	(tag) =	ssettag $0x1  }
0x1: {  	s1 =	srdreg.scid  }
0x2: {  	s0 =	stileid.u32;
	s5 =	rddreg [dreg:$0x0];
	s2 =	simm.s32 $0x0  }
0x3: {  	s8 =	simm.s32 $0x2710;
	s3 =	sand.u32 $0x1, s1;
	s4 =	smul.u32 $0x30D40, s0  }
0x4: {  	s9 =	simm.s32 $0x2780;
	s10 =	simm.s32 $0x1;
	s6 =	smul.u32 $0x186A0, s3  }
0x5: {  	s11 =	simm.s32 $0x0;
	s1 =	rddreg [dreg:$0x1];
	s3 =	ssub.s32 $0x2, s3  }
0x6: {  	[smem:$0x7FF] =	sst s2;
	s30 =	sshrl.u32 s3, $0x1;
	s4 =	sadd.s32 s6, s4  }
0x7: {  	_ =	strace $0x80000053;
	s31 =	ssub.s32 s3, s30;
	s4 =	sshrl.u32 s4, $0x3  }
0x8: {  	s3 =	sadd.s32 $0x187000, s5;
	s7 =	sadd.s32 s4, s5;
	s4 =	smax.u32 s31, $0x1  }
0x9: {  	s5 =	sadd.s32 $0x1E8C00, s7;
	s6 =	sadd.s32 $0x66A00, s7;
	s7 =	simm.s32 $0x2  }
.LBB2_1:
0xa: {  	s12 =	sadd.s32 $0x0, s6  }
0xb: {  	[tilespmem:s2], [sflag:$0x2] =	stream.linear.gather [hbm4b:s12+s2], $0x2710, $0x38;
	[tilespmem:$0x4F00] =	vst v63  }
0xc: {  	_ =	swait.ge [sflag:s7], $0x2710  }
0xd: {  	[sflag:s7] =	ssyncset.done $0x0  }
0xe: {  	[sflag:s7] =	ssyncadd.s32 $0xFFFFD8F0  }
0xf: {  	[tilespmem:s9], [sflag:$0x1] =	stream.indirect.gather [hbm4b:s3+s8], $0x1, s2, s8, $0xb8;
	[tilespmem:$0x4F00] =	vst v63  }
0x10: {  	_ =	swait.ge [sflag:s10], $0x2710  }
0x11: {  	[sflag:s10] =	ssyncset.done $0x0  }
0x12: {  	s31 =	sadd.s32 $0x0, s5;
	[sflag:s10] =	ssyncadd.s32 $0xFFFFD8F0  }
0x13: {  	[hbm4b:s31+s2] =	stream.linear.scatter [tilespmem:s9], [sflag:$0x2], $0x2710, $0x38;
	[tilespmem:$0x4F00] =	vst v63  }
0x14: {  	_ =	swait.ge [sflag:s7], $0x2710  }
0x15: {  	s13 =	simm.s32 $0x9C4;
	s12 =	simm.s32 $0x4E2;
	[sflag:s7] =	ssyncset.done $0x0  }
.LBB2_2:
0x16: {  	s14 =	sadd.s32 s12, s6  }
0x17: {  	[sflag:s7] =	ssyncadd.s32 $0xFFFFD8F0;
	s15 =	smov.u32 s13;
	s16 =	sadd.s32 $0x4E2, s13  }
0x18: {  	[tilespmem:s2], [sflag:$0x2] =	stream.linear.gather [hbm4b:s14+s2], $0x2710, $0x38;
	[tilespmem:$0x4F00] =	vst v63  }
0x19: {  	p0 =	sne.s32 s13, $0x2BF2;
	_ =	swait.ge [sflag:s7], $0x2710  }
0x1a: {  	[sflag:s7] =	ssyncset.done $0x0  }
0x1b: {  	[sflag:s7] =	ssyncadd.s32 $0xFFFFD8F0  }
0x1c: {  	[tilespmem:s9], [sflag:$0x1] =	stream.indirect.gather [hbm4b:s3+s8], $0x1, s2, s8, $0xb8;
	[tilespmem:$0x4F00] =	vst v63  }
0x1d: {  	_ =	swait.ge [sflag:s10], $0x2710  }
.Ltmp0:
0x1e: {  	[sflag:s10] =	ssyncset.done $0x0;
	(pc) =	sbr.rel @p0 .LBB2_2-.Ltmp0, $4  }
0x1f: {  	s13 =	sadd.s32 s12, s5;
	s12 =	smov.u32 s15;
	[sflag:s10] =	ssyncadd.s32 $0xFFFFD8F0  }
0x20: {  	[hbm4b:s13+s2] =	stream.linear.scatter [tilespmem:s9], [sflag:$0x2], $0x2710, $0x38;
	[tilespmem:$0x4F00] =	vst v63  }
0x21: {  	_ =	swait.ge [sflag:s7], $0x2710  }
0x22: {  	s13 =	smov.u32 s16;
	[sflag:s7] =	ssyncset.done $0x0  }
0x23: {  	s13 =	sadd.s32 s12, s6;
	[sflag:s7] =	ssyncadd.s32 $0xFFFFD8F0  }
0x24: {  	[tilespmem:s2], [sflag:$0x2] =	stream.linear.gather [hbm4b:s13+s2], $0x2710, $0x38;
	[tilespmem:$0x4F00] =	vst v63  }
0x25: {  	_ =	swait.ge [sflag:s7], $0x2710  }
0x26: {  	[sflag:s7] =	ssyncset.done $0x0  }
0x27: {  	[sflag:s7] =	ssyncadd.s32 $0xFFFFD8F0  }
0x28: {  	[tilespmem:s9], [sflag:$0x1] =	stream.indirect.gather [hbm4b:s3+s8], $0x1, s2, s8, $0xb8;
	[tilespmem:$0x4F00] =	vst v63  }
0x29: {  	s11 =	sadd.s32 $0x1, s11;
	_ =	swait.ge [sflag:s10], $0x2710  }
0x2a: {  	p0 =	sne.s32 s11, s4;
	[sflag:s10] =	ssyncset.done $0x0  }
.Ltmp1:
0x2b: {  	s31 =	sadd.s32 s12, s5;
	[sflag:s10] =	ssyncadd.s32 $0xFFFFD8F0;
	(pc) =	sbr.rel @p0 .LBB2_1-.Ltmp1, $4  }
0x2c: {  	[hbm4b:s31+s2] =	stream.linear.scatter [tilespmem:s9], [sflag:$0x2], $0x2710, $0x38;
	[tilespmem:$0x4F00] =	vst v63  }
0x2d: {  	_ =	swait.ge [sflag:s7], $0x2710  }
0x2e: {  	[sflag:s7] =	ssyncset.done $0x0  }
0x2f: {  	[sflag:s7] =	ssyncadd.s32 $0xFFFFD8F0  }
0x30: {  	_ =	sfence.sel $0x180000  }
0x31: {  	[bflag:$0x0] =	sbarrier.arrive $0xFFFF  }
0x32: {  	p0 =	sne.s32 s0, $0x0;
	_ =	strace $0x90000053  }
0x33: {  	s0 =	sadd.s32 @!p0 $0x100000, s1;
	[bflag:$0x2] =	sbarrier.arrive $0xFFFF  }
0x34: {  	[sflag:s0] =	ssyncadd.tile.s32 @!p0 $0x1;
	_ =	shalt  }
.Lfunc_end2:
_tile_overlayer_lowered:
.L_overlay_start_2:
0x35: {  	(tag) =	ssettag $0x2  }
0x36: {  	s0 =	rddreg [dreg:$0x0];
	s2 =	stileid.u32  }
0x37: {  	s1 =	rddreg [dreg:$0x1];
	p0 =	sne.s32 s2, $0x0  }
0x38: {  	s3 =	rddreg [dreg:$0x2];
	[bflag:$0x3] =	sbarrier.arrive $0xFFFF;
	s2 =	simm.s32 @!p0 $0x1C02  }
0x39: {  	[timem:s3], [sflag:s2] =	dma.local @!p0 [hbm:s0], s1  }
0x3a: {  	s0 =	simm.s32 @!p0 $0x2  }
0x3b: {  	_ =	swait.ge @!p0 [sflag:s0], s1  }
0x3c: {  	s1 =	ssub.s32 @!p0 $0x0, s1;
	[sflag:s0] =	ssyncset.done @!p0 $0x0  }
0x3d: {  	[sflag:s0] =	ssyncadd.s32 @!p0 s1  }
0x3e: {  	[bflag:$0x3] =	sbarrier.arrive $0xFFFF  }
0x3f: {  	_ =	shalt  }

// kernel: kernel.22.cloned.1.call-start
scs
__scs_entry_jumppad:
0x0: {  	(pc) =	sbr.rel $0x88, $3  }
0x1: {  	(tag) =	ssettag $0x0;
	lr =	simm.s32 $0x1  }
0x2: {  	[smem:$0x3F9A] =	sst lr;
	_ =	strace $0xD0000000  }
0x3: {  	_ = 	snop  }
0x4: {  	_ = 	snop  }
0x5: {  	_ = 	snop  }
0x6: {  	_ = 	snop  }
0x7: {  	_ = 	snop  }
__scs_overlays_trampoline_lowered:
0x8: {  	[smem:$0x3FA9] =	sst s0  }
0x9: {  	[smem:$0x3FAA] =	sst s1  }
0xa: {  	[smem:$0x3FAB] =	sst s2  }
0xb: {  	[smem:$0x3FAC] =	sst s3  }
0xc: {  	[smem:$0x3FAD] =	sst s4  }
0xd: {  	[smem:$0x3FAE] =	sst s5  }
0xe: {  	[smem:$0x3FAF] =	sst s6  }
0xf: {  	[smem:$0x3FB0] =	sst s7  }
0x10: {  	[smem:$0x3FB1] =	sst s8  }
0x11: {  	[smem:$0x3FB2] =	sst s9;
	s0 =	simm.s32 @!p0 $0x0  }
0x12: {  	s1 =	sld [smem:$0x3F98];
	s0 =	simm.s32 @p0 $0x1  }
0x13: {  	[smem:$0x3FB3] =	sst s0;
	s0 =	simm.s32 @!p1 $0x0  }
0x14: {  	s2 =	sld [smem:$0x3F97];
	s0 =	simm.s32 @p1 $0x1  }
0x15: {  	[smem:$0x3FB4] =	sst s0;
	s0 =	simm.s32 @!p2 $0x0  }
0x16: {  	s3 =	sld [smem:$0x3FDB];
	s0 =	simm.s32 @p2 $0x1  }
0x17: {  	s4 =	simm.s32 $0x1BF5;
	[smem:$0x3FB6] =	sst s0  }
0x18: {  	s0 =	sld [smem:$0x3F99];
	_ =	swait.ge [sflag:s4], $0x0  }
0x19: {  	s7 =	sld [smem:$0x3F9A]  }
0x1a: {  	s8 =	sadd.s32 $0xFFFFE003, lr  }
0x1b: {  	s9 =	sadd.s32 $0xFFFFFEF7, lr;
	s5 =	simm.s32 $0xFFFFFFFF;
	p2 =	slt.u32 s8, $0xFFFFF086  }
0x1c: {  	p1 =	slt.u32 s9, $0xF7A;
	s5 =	simm.s32 @!p2 $0x0  }
0x1d: {  	s5 =	simm.s32 @p1 $0x1;
	p0 =	seq.s32 s7, s2  }
0x1e: {  	s7 =	smul.u32 @!p0 $0xF7A, s2;
	p2 =	seq.s32 @!p0 s5, $0x0  }
0x1f: {  	s9 =	smul.u32 $0xF7A, s1;
	s8 =	simm.s32 @!p0 $0x1BF5;
	p2 =	por !p2, p0  }
0x20: {  	[sflag:s8] =	ssyncset.s32 @!p0 $0xFFFFF086;
	s6 =	sadd.s32 @!p0 s3, s7;
	s7 =	simm.s32 @!p0 $0x108  }
0x21: {  	s3 =	sadd.s32 s3, s9;
	s6 =	sadd.s32 @!p0 $0x88, s6;
	s7 =	simm.s32 @p2 $0x1082  }
0x22: {  	[simem:s7], [sflag:s8] =	dma.local @!p0 [hbm:s6], $0xF7A  }
0x23: {  	s9 =	sor.u32 $0xD0000000, s2;
	s6 =	simm.s32 $0x108;
	_ =	swait.ge @!p0 [sflag:s8], $0x0  }
0x24: {  	s3 =	sadd.s32 $0x88, s3;
	s6 =	simm.s32 @!p1 $0x1082;
	[sflag:s4] =	ssyncset.s32 $0xFFFFF086  }
0x25: {  	[simem:s6], [sflag:s4] =	dma.local [hbm:s3], $0xF7A  }
0x26: {  	[smem:$0x3F9A] =	sst s1;
	(tag) =	ssettag s2;
	_ =	strace s9  }
0x27: {  	s1 =	sld [smem:$0x3FAA]  }
0x28: {  	s2 =	sld [smem:$0x3FAB]  }
0x29: {  	s4 =	sld [smem:$0x3FAD]  }
0x2a: {  	p0 =	seq.s32 s5, $0x0;
	s5 =	sld [smem:$0x3FAE]  }
0x2b: {  	s6 =	sld [smem:$0x3FAF]  }
0x2c: {  	s7 =	sld [smem:$0x3FB0]  }
0x2d: {  	s3 =	simm.s32 $0x108;
	s8 =	sld [smem:$0x3FB1]  }
0x2e: {  	s3 =	simm.s32 @!p0 $0x1082;
	s9 =	sld [smem:$0x3FB2]  }
0x2f: {  	lr =	sadd.s32 s0, s3;
	s0 =	sld [smem:$0x3FA9]  }
0x30: {  	s3 =	sld [smem:$0x3FAC]  }
0x31: {  	[smem:$0x3FB5] =	sst s10  }
0x32: {  	s10 =	sld [smem:$0x3FB3];
	_ =	sdelay $0x3  }
0x33: {  	p0 =	seq.s32 s10, $0x1;
	s10 =	sld [smem:$0x3FB5];
	_ =	sdelay $0x3  }
0x34: {  	[smem:$0x3FB5] =	sst s10  }
0x35: {  	s10 =	sld [smem:$0x3FB4];
	_ =	sdelay $0x3  }
0x36: {  	p1 =	seq.s32 s10, $0x1;
	s10 =	sld [smem:$0x3FB5];
	_ =	sdelay $0x3  }
0x37: {  	[smem:$0x3FB5] =	sst s10  }
0x38: {  	s10 =	sld [smem:$0x3FB6]  }
0x39: {  	_ = 	snop;
	(pc) =	sbr.ind lr, $3  }
0x3a: {  	_ = 	snop  }
0x3b: {  	_ = 	snop  }
0x3c: {  	p2 =	seq.s32 s10, $0x1;
	s10 =	sld [smem:$0x3FB5]  }
0x3d: {  	_ =	shalt  }
0x3e: {  	_ =	shalt  }
0x3f: {  	_ =	shalt  }
0x40: {  	_ =	shalt  }
0x41: {  	_ =	shalt  }
0x42: {  	_ =	shalt  }
0x43: {  	_ =	shalt  }
0x44: {  	_ =	shalt  }
0x45: {  	_ =	shalt  }
0x46: {  	_ =	shalt  }
0x47: {  	_ =	shalt  }
0x48: {  	_ =	shalt  }
0x49: {  	_ =	shalt  }
0x4a: {  	_ =	shalt  }
0x4b: {  	_ =	shalt  }
0x4c: {  	_ =	shalt  }
0x4d: {  	_ =	shalt  }
0x4e: {  	_ =	shalt  }
0x4f: {  	_ =	shalt  }
0x50: {  	_ =	shalt  }
0x51: {  	_ =	shalt  }
0x52: {  	_ =	shalt  }
0x53: {  	_ =	shalt  }
0x54: {  	_ =	shalt  }
0x55: {  	_ =	shalt  }
0x56: {  	_ =	shalt  }
0x57: {  	_ =	shalt  }
0x58: {  	_ =	shalt  }
0x59: {  	_ =	shalt  }
0x5a: {  	_ =	shalt  }
0x5b: {  	_ =	shalt  }
0x5c: {  	_ =	shalt  }
0x5d: {  	_ =	shalt  }
0x5e: {  	_ =	shalt  }
0x5f: {  	_ =	shalt  }
0x60: {  	_ =	shalt  }
0x61: {  	_ =	shalt  }
0x62: {  	_ =	shalt  }
0x63: {  	_ =	shalt  }
0x64: {  	_ =	shalt  }
0x65: {  	_ =	shalt  }
0x66: {  	_ =	shalt  }
0x67: {  	_ =	shalt  }
0x68: {  	_ =	shalt  }
0x69: {  	_ =	shalt  }
0x6a: {  	_ =	shalt  }
0x6b: {  	_ =	shalt  }
0x6c: {  	_ =	shalt  }
0x6d: {  	_ =	shalt  }
0x6e: {  	_ =	shalt  }
0x6f: {  	_ =	shalt  }
0x70: {  	_ =	shalt  }
0x71: {  	_ =	shalt  }
0x72: {  	_ =	shalt  }
0x73: {  	_ =	shalt  }
0x74: {  	_ =	shalt  }
0x75: {  	_ =	shalt  }
0x76: {  	_ =	shalt  }
0x77: {  	_ =	shalt  }
0x78: {  	_ =	shalt  }
0x79: {  	_ =	shalt  }
0x7a: {  	_ =	shalt  }
0x7b: {  	_ =	shalt  }
0x7c: {  	_ =	shalt  }
0x7d: {  	_ =	shalt  }
0x7e: {  	_ =	shalt  }
0x7f: {  	_ =	shalt  }
0x80: {  	_ =	shalt  }
0x81: {  	_ =	shalt  }
0x82: {  	_ =	shalt  }
0x83: {  	_ =	shalt  }
0x84: {  	_ =	shalt  }
0x85: {  	_ =	shalt  }
0x86: {  	_ =	shalt  }
0x87: {  	_ =	shalt  }
.Lfunc_end0:
.L_simem_size_0:
called_computation.5_lowered:
.L_overlay_start_0:
0x88: {  	s2 =	sld [smem:$0x3FD9]  }
0x89: {  	s3 =	sld [smem:$0x3FFE];
	_ =	sdelay $0x1  }
0x8a: {  	s1 =	srdreg.scid  }
0x8b: {  	s0 =	sand.u32 $0x1, s1  }
0x8c: {  	s16 =	sshll.u32 s0, $0xA;
	s2 =	sadd.s32 s3, s2  }
0x8d: {  	s2 =	sadd.s32 s2, s16  }
0x8e: {  	[smem:$0x3FC1] =	sst s2  }
0x8f: {  	_ = 	snop  }
0x90: {  	(tm) =	ssettm $0x1  }
0x91: {  	s17 =	sld [smem:$0x3FFB];
	_ =	sdelay $0x3  }
0x92: {  	_ =	strace s17  }
0x93: {  	s2 =	sld [smem:$0x3FFC];
	_ =	sdelay $0x3  }
0x94: {  	_ =	strace s2  }
0x95: {  	s2 =	sld [smem:$0x3FFD];
	_ =	sdelay $0x3  }
0x96: {  	_ =	strace s2  }
0x97: {  	_ =	strace $0x8FFFFFFF  }
0x98: {  	s18 =	sld [smem:$0x3FDB];
	_ =	sdelay $0x1  }
0x99: {  	s19 =	simm.s32 $_scs_section_size  }
0x9a: {  	s4 =	simm.s32 $_size__tile_overlayer_lowered;
	s5 =	simm.s32 $_tile_overlayer_lowered  }
0x9b: {  	s22 =	simm.s32 $0x1BFF;
	s21 =	sshll.u32 s5, $0x1;
	s2 =	sadd.s32 s19, s18  }
0x9c: {  	s6 =	simm.s32 $0x0;
	s20 =	sshll.u32 s4, $0x1;
	s4 =	sadd.s32 s21, s2  }
0x9d: {  	[timem:s6], [sflag:s22] =	dma.local [hbm:s4], s20  }
0x9e: {  	_ =	swait.ge [sflag:s22], s20  }
0x9f: {  	s3 =	ssub.s32 $0x0, s20;
	[sflag:s22] =	ssyncset.done $0x0  }
0xa0: {  	[sflag:s22] =	ssyncadd.s32 s3;
	_ =	sdelay $0x1  }
0xa1: {  	s23 =	simm.s32 $0x1B8B  }
0xa2: {  	_ =	swait.ge [sflag:s23], $0x1  }
0xa3: {  	[sflag:s23] =	ssyncset.done $0x0  }
0xa4: {  	s25 =	simm.s32 $0x1B8E;
	s24 =	sld [smem:$0x3FFE];
	[sflag:s23] =	ssyncadd.s32 $0xFFFFFFFF  }
0xa5: {  	s26 =	simm.s32 $execute0_lowered;
	[smem:$0x3FD2] =	sst s25  }
0xa6: {  	s4 =	sshll.u32 s26, $0x1;
	_ =	strace $0x80000055;
	[dreg:$0x1] =	wrdreg $0xFFFFFFFF  }
0xa7: {  	s28 =	simm.s32 $_size_execute0_lowered;
	s2 =	sadd.s32 s2, s4;
	[dreg:$0x0] =	wrdreg $0x0  }
0xa8: {  	s4 =	sshll.u32 s28, $0x1;
	[dreg:$0x2] =	wrdreg s2  }
0xa9: {  	[dreg:$0x3] =	wrdreg s4  }
0xaa: {  	[dreg:$0x4] =	wrdreg $0xC0  }
0xab: {  	_ =	task [dreg:s6], $0x5FFFF  }
0xac: {  	[dreg:$0x1] =	wrdreg $0xFFFFFFFF  }
0xad: {  	[dreg:$0x0] =	wrdreg $0x60  }
0xae: {  	[dreg:$0x2] =	wrdreg s24  }
0xaf: {  	[dreg:$0x3] =	wrdreg $0x9  }
0xb0: {  	_ =	task.clear_ibuf [dreg:s6], $0x4FFFF;
	_ =	strace $0x90000055  }
0xb1: {  	s29 =	simm.s32 $0x9;
	_ =	strace $0x80000057  }
0xb2: {  	_ =	swait.ge [sflag:s29], $0x1  }
0xb3: {  	[sflag:s29] =	ssyncadd.s32 $0xFFFFFFFF  }
0xb4: {  	_ =	strace $0x90000057  }
0xb5: {  	_ =	sfence  }
0xb6: {  	s30 =	sld [smem:$0x0];
	_ =	sdelay $0x2  }
0xb7: {  	s31 =	sshll.u32 s1, $0xD;
	s1 =	sshrl.u32 s1, $0x2  }
0xb8: {  	s3 =	sand.u32 $0x4000, s31;
	s1 =	sadd.s32 s1, s30  }
0xb9: {  	s0 =	sor.u32 s3, s0;
	s1 =	sshll.u32 s1, $0x11  }
0xba: {  	s0 =	sor.u32 s1, s0  }
0xbb: {  	s0 =	sadd.s32 $0x8F2B, s0  }
0xbc: {  	[sflag:s0] =	ssyncadd.remote.s32 $0x1  }
0xbd: {  	_ =	sfence.sel $0xFFFF  }
0xbe: {  	[dreg:$0x0] =	wrdreg $0xFFFFFFFF;
	(pc) =	sbr.abs _section_cstart, $3  }
0xbf: {  	[dreg:$0x1] =	wrdreg $0xFFFFFFFF  }
0xc0: {  	_ =	task.clear_ibuf [dreg:s6], $0x2FFFF;
	_ =	strace $0x9FFFFFFF  }
0xc1: {  	(tm) =	ssettm $0x7FFFFFFF  }
tec
execute0_lowered:
.L_overlay_start_1:
0x0: {  	(tag) =	ssettag $0x1  }
0x1: {  	s1 =	srdreg.scid;
	s0 =	stileid.u32  }
0x2: {  	s6 =	sand.u32 $0x1, s1;
	s31 =	sshll.u32 s0, $0x1  }
0x3: {  	s1 =	sor.u32 s6, s31  }
0x4: {  	s2 =	rddreg [dreg:$0x0];
	s3 =	simm.s32 $0x0;
	s4 =	smul.u32 $0x188, s1  }
0x5: {  	[smem:$0x7FF] =	sst s3  }
0x6: {  	s10 =	ssub.s32 $0x2, s6;
	s1 =	rddreg [dreg:$0x1];
	s9 =	sadd.s32 s4, s2  }
0x7: {  	_ =	strace $0x80000056;
	s4 =	simm.s32 $0x2;
	s5 =	sadd.s32 $0x61C00, s9  }
0x8: {  	[tilespmem:s3], [sflag:$0x2] =	stream.linear.gather [hbm4b:s5+s3], $0xC40, $0x38;
	[tilespmem:$0x1900] =	vst v63  }
0x9: {  	s7 =	simm.s32 $0xC80;
	s11 =	sshrl.u32 s10, $0x1;
	_ =	swait.ge [sflag:s4], $0xC40  }
0xa: {  	s8 =	simm.s32 $0x1;
	s10 =	ssub.s32 s10, s11;
	[sflag:s4] =	ssyncset.done $0x0  }
0xb: {  	s6 =	simm.s32 $0xC40;
	s10 =	smax.u32 s10, $0x1;
	[sflag:s4] =	ssyncadd.s32 $0xFFFFF3C0  }
0xc: {  	[tilespmem:s7], [sflag:$0x1] =	stream.indirect.gather [hbm4b:s2+s6], $0x1, s3, s6, $0xb8;
	[tilespmem:$0x1900] =	vst v63  }
0xd: {  	p0 =	sne.s32 s10, $0x1;
	_ =	swait.ge [sflag:s8], $0xC40  }
.Ltmp0:
0xe: {  	[sflag:s8] =	ssyncset.done $0x0;
	(pc) =	sbr.rel @!p0 .LBB2_2-.Ltmp0, $4  }
0xf: {  	s9 =	sadd.s32 $0x66400, s9;
	[sflag:s8] =	ssyncadd.s32 $0xFFFFF3C0  }
0x10: {  	[hbm4b:s9+s3] =	stream.linear.scatter [tilespmem:s7], [sflag:$0x2], $0xC40, $0x38;
	[tilespmem:$0x1900] =	vst v63  }
0x11: {  	_ =	swait.ge [sflag:s4], $0xC40  }
0x12: {  	s10 =	sadd.s32 $0xFFFFFFFF, s10;
	[sflag:s4] =	ssyncset.done $0x0  }
.LBB2_1:
0x13: {  	p0 =	sne.s32 s10, $0x1;
	s10 =	sadd.s32 $0xFFFFFFFF, s10;
	[sflag:s4] =	ssyncadd.s32 $0xFFFFF3C0  }
0x14: {  	[tilespmem:s3], [sflag:$0x2] =	stream.linear.gather [hbm4b:s5+s3], $0xC40, $0x38;
	[tilespmem:$0x1900] =	vst v63  }
0x15: {  	_ =	swait.ge [sflag:s4], $0xC40  }
0x16: {  	[sflag:s4] =	ssyncset.done $0x0  }
0x17: {  	[sflag:s4] =	ssyncadd.s32 $0xFFFFF3C0  }
0x18: {  	[tilespmem:s7], [sflag:$0x1] =	stream.indirect.gather [hbm4b:s2+s6], $0x1, s3, s6, $0xb8;
	[tilespmem:$0x1900] =	vst v63  }
0x19: {  	_ =	swait.ge [sflag:s8], $0xC40  }
.Ltmp1:
0x1a: {  	[sflag:s8] =	ssyncset.done $0x0;
	(pc) =	sbr.rel @p0 .LBB2_1-.Ltmp1, $4  }
0x1b: {  	[sflag:s8] =	ssyncadd.s32 $0xFFFFF3C0  }
0x1c: {  	[hbm4b:s9+s3] =	stream.linear.scatter [tilespmem:s7], [sflag:$0x2], $0xC40, $0x38;
	[tilespmem:$0x1900] =	vst v63  }
0x1d: {  	_ =	swait.ge [sflag:s4], $0xC40  }
0x1e: {  	[sflag:s4] =	ssyncset.done $0x0  }
.LBB2_2:
0x1f: {  	[sflag:s4] =	ssyncadd.s32 $0xFFFFF3C0  }
0x20: {  	_ =	sfence.sel $0x180000  }
0x21: {  	[bflag:$0x0] =	sbarrier.arrive $0xFFFF  }
0x22: {  	p0 =	sne.s32 s0, $0x0;
	_ =	strace $0x90000056  }
0x23: {  	s0 =	sadd.s32 @!p0 $0x100000, s1;
	[bflag:$0x2] =	sbarrier.arrive $0xFFFF  }
0x24: {  	[sflag:s0] =	ssyncadd.tile.s32 @!p0 $0x1;
	_ =	shalt  }
.Lfunc_end2:
_tile_overlayer_lowered:
.L_overlay_start_2:
0x25: {  	(tag) =	ssettag $0x2  }
0x26: {  	s0 =	rddreg [dreg:$0x0];
	s2 =	stileid.u32  }
0x27: {  	s1 =	rddreg [dreg:$0x1];
	p0 =	sne.s32 s2, $0x0  }
0x28: {  	s3 =	rddreg [dreg:$0x2];
	[bflag:$0x3] =	sbarrier.arrive $0xFFFF;
	s2 =	simm.s32 @!p0 $0x1C02  }
0x29: {  	[timem:s3], [sflag:s2] =	dma.local @!p0 [hbm:s0], s1  }
0x2a: {  	s0 =	simm.s32 @!p0 $0x2  }
0x2b: {  	_ =	swait.ge @!p0 [sflag:s0], s1  }
0x2c: {  	s1 =	ssub.s32 @!p0 $0x0, s1;
	[sflag:s0] =	ssyncset.done @!p0 $0x0  }
0x2d: {  	[sflag:s0] =	ssyncadd.s32 @!p0 s1  }
0x2e: {  	[bflag:$0x3] =	sbarrier.arrive $0xFFFF  }
0x2f: {  	_ =	shalt  }

// kernel: scatter_offload_async_start
scs
__scs_entry_jumppad:
0x0: {  	(pc) =	sbr.rel $0x88, $3  }
0x1: {  	(tag) =	ssettag $0x0;
	lr =	simm.s32 $0x1  }
0x2: {  	[smem:$0x3F9A] =	sst lr;
	_ =	strace $0xD0000000  }
0x3: {  	_ = 	snop  }
0x4: {  	_ = 	snop  }
0x5: {  	_ = 	snop  }
0x6: {  	_ = 	snop  }
0x7: {  	_ = 	snop  }
__scs_overlays_trampoline_lowered:
0x8: {  	[smem:$0x3FA9] =	sst s0  }
0x9: {  	[smem:$0x3FAA] =	sst s1  }
0xa: {  	[smem:$0x3FAB] =	sst s2  }
0xb: {  	[smem:$0x3FAC] =	sst s3  }
0xc: {  	[smem:$0x3FAD] =	sst s4  }
0xd: {  	[smem:$0x3FAE] =	sst s5  }
0xe: {  	[smem:$0x3FAF] =	sst s6  }
0xf: {  	[smem:$0x3FB0] =	sst s7  }
0x10: {  	[smem:$0x3FB1] =	sst s8  }
0x11: {  	[smem:$0x3FB2] =	sst s9;
	s0 =	simm.s32 @!p0 $0x0  }
0x12: {  	s1 =	sld [smem:$0x3F98];
	s0 =	simm.s32 @p0 $0x1  }
0x13: {  	[smem:$0x3FB3] =	sst s0;
	s0 =	simm.s32 @!p1 $0x0  }
0x14: {  	s2 =	sld [smem:$0x3F97];
	s0 =	simm.s32 @p1 $0x1  }
0x15: {  	[smem:$0x3FB4] =	sst s0;
	s0 =	simm.s32 @!p2 $0x0  }
0x16: {  	s3 =	sld [smem:$0x3FDB];
	s0 =	simm.s32 @p2 $0x1  }
0x17: {  	s4 =	simm.s32 $0x1BF5;
	[smem:$0x3FB6] =	sst s0  }
0x18: {  	s0 =	sld [smem:$0x3F99];
	_ =	swait.ge [sflag:s4], $0x0  }
0x19: {  	s7 =	sld [smem:$0x3F9A]  }
0x1a: {  	s8 =	sadd.s32 $0xFFFFE003, lr  }
0x1b: {  	s9 =	sadd.s32 $0xFFFFFEF7, lr;
	s5 =	simm.s32 $0xFFFFFFFF;
	p2 =	slt.u32 s8, $0xFFFFF086  }
0x1c: {  	p1 =	slt.u32 s9, $0xF7A;
	s5 =	simm.s32 @!p2 $0x0  }
0x1d: {  	s5 =	simm.s32 @p1 $0x1;
	p0 =	seq.s32 s7, s2  }
0x1e: {  	s7 =	smul.u32 @!p0 $0xF7A, s2;
	p2 =	seq.s32 @!p0 s5, $0x0  }
0x1f: {  	s9 =	smul.u32 $0xF7A, s1;
	s8 =	simm.s32 @!p0 $0x1BF5;
	p2 =	por !p2, p0  }
0x20: {  	[sflag:s8] =	ssyncset.s32 @!p0 $0xFFFFF086;
	s6 =	sadd.s32 @!p0 s3, s7;
	s7 =	simm.s32 @!p0 $0x108  }
0x21: {  	s3 =	sadd.s32 s3, s9;
	s6 =	sadd.s32 @!p0 $0x88, s6;
	s7 =	simm.s32 @p2 $0x1082  }
0x22: {  	[simem:s7], [sflag:s8] =	dma.local @!p0 [hbm:s6], $0xF7A  }
0x23: {  	s9 =	sor.u32 $0xD0000000, s2;
	s6 =	simm.s32 $0x108;
	_ =	swait.ge @!p0 [sflag:s8], $0x0  }
0x24: {  	s3 =	sadd.s32 $0x88, s3;
	s6 =	simm.s32 @!p1 $0x1082;
	[sflag:s4] =	ssyncset.s32 $0xFFFFF086  }
0x25: {  	[simem:s6], [sflag:s4] =	dma.local [hbm:s3], $0xF7A  }
0x26: {  	[smem:$0x3F9A] =	sst s1;
	(tag) =	ssettag s2;
	_ =	strace s9  }
0x27: {  	s1 =	sld [smem:$0x3FAA]  }
0x28: {  	s2 =	sld [smem:$0x3FAB]  }
0x29: {  	s4 =	sld [smem:$0x3FAD]  }
0x2a: {  	p0 =	seq.s32 s5, $0x0;
	s5 =	sld [smem:$0x3FAE]  }
0x2b: {  	s6 =	sld [smem:$0x3FAF]  }
0x2c: {  	s7 =	sld [smem:$0x3FB0]  }
0x2d: {  	s3 =	simm.s32 $0x108;
	s8 =	sld [smem:$0x3FB1]  }
0x2e: {  	s3 =	simm.s32 @!p0 $0x1082;
	s9 =	sld [smem:$0x3FB2]  }
0x2f: {  	lr =	sadd.s32 s0, s3;
	s0 =	sld [smem:$0x3FA9]  }
0x30: {  	s3 =	sld [smem:$0x3FAC]  }
0x31: {  	[smem:$0x3FB5] =	sst s10  }
0x32: {  	s10 =	sld [smem:$0x3FB3];
	_ =	sdelay $0x3  }
0x33: {  	p0 =	seq.s32 s10, $0x1;
	s10 =	sld [smem:$0x3FB5];
	_ =	sdelay $0x3  }
0x34: {  	[smem:$0x3FB5] =	sst s10  }
0x35: {  	s10 =	sld [smem:$0x3FB4];
	_ =	sdelay $0x3  }
0x36: {  	p1 =	seq.s32 s10, $0x1;
	s10 =	sld [smem:$0x3FB5];
	_ =	sdelay $0x3  }
0x37: {  	[smem:$0x3FB5] =	sst s10  }
0x38: {  	s10 =	sld [smem:$0x3FB6]  }
0x39: {  	_ = 	snop;
	(pc) =	sbr.ind lr, $3  }
0x3a: {  	_ = 	snop  }
0x3b: {  	_ = 	snop  }
0x3c: {  	p2 =	seq.s32 s10, $0x1;
	s10 =	sld [smem:$0x3FB5]  }
0x3d: {  	_ =	shalt  }
0x3e: {  	_ =	shalt  }
0x3f: {  	_ =	shalt  }
0x40: {  	_ =	shalt  }
0x41: {  	_ =	shalt  }
0x42: {  	_ =	shalt  }
0x43: {  	_ =	shalt  }
0x44: {  	_ =	shalt  }
0x45: {  	_ =	shalt  }
0x46: {  	_ =	shalt  }
0x47: {  	_ =	shalt  }
0x48: {  	_ =	shalt  }
0x49: {  	_ =	shalt  }
0x4a: {  	_ =	shalt  }
0x4b: {  	_ =	shalt  }
0x4c: {  	_ =	shalt  }
0x4d: {  	_ =	shalt  }
0x4e: {  	_ =	shalt  }
0x4f: {  	_ =	shalt  }
0x50: {  	_ =	shalt  }
0x51: {  	_ =	shalt  }
0x52: {  	_ =	shalt  }
0x53: {  	_ =	shalt  }
0x54: {  	_ =	shalt  }
0x55: {  	_ =	shalt  }
0x56: {  	_ =	shalt  }
0x57: {  	_ =	shalt  }
0x58: {  	_ =	shalt  }
0x59: {  	_ =	shalt  }
0x5a: {  	_ =	shalt  }
0x5b: {  	_ =	shalt  }
0x5c: {  	_ =	shalt  }
0x5d: {  	_ =	shalt  }
0x5e: {  	_ =	shalt  }
0x5f: {  	_ =	shalt  }
0x60: {  	_ =	shalt  }
0x61: {  	_ =	shalt  }
0x62: {  	_ =	shalt  }
0x63: {  	_ =	shalt  }
0x64: {  	_ =	shalt  }
0x65: {  	_ =	shalt  }
0x66: {  	_ =	shalt  }
0x67: {  	_ =	shalt  }
0x68: {  	_ =	shalt  }
0x69: {  	_ =	shalt  }
0x6a: {  	_ =	shalt  }
0x6b: {  	_ =	shalt  }
0x6c: {  	_ =	shalt  }
0x6d: {  	_ =	shalt  }
0x6e: {  	_ =	shalt  }
0x6f: {  	_ =	shalt  }
0x70: {  	_ =	shalt  }
0x71: {  	_ =	shalt  }
0x72: {  	_ =	shalt  }
0x73: {  	_ =	shalt  }
0x74: {  	_ =	shalt  }
0x75: {  	_ =	shalt  }
0x76: {  	_ =	shalt  }
0x77: {  	_ =	shalt  }
0x78: {  	_ =	shalt  }
0x79: {  	_ =	shalt  }
0x7a: {  	_ =	shalt  }
0x7b: {  	_ =	shalt  }
0x7c: {  	_ =	shalt  }
0x7d: {  	_ =	shalt  }
0x7e: {  	_ =	shalt  }
0x7f: {  	_ =	shalt  }
0x80: {  	_ =	shalt  }
0x81: {  	_ =	shalt  }
0x82: {  	_ =	shalt  }
0x83: {  	_ =	shalt  }
0x84: {  	_ =	shalt  }
0x85: {  	_ =	shalt  }
0x86: {  	_ =	shalt  }
0x87: {  	_ =	shalt  }
.Lfunc_end0:
.L_simem_size_0:
called_computation_lowered:
.L_overlay_start_0:
0x88: {  	s0 =	sld [smem:$0x3FD9]  }
0x89: {  	s1 =	sld [smem:$0x3FFE];
	_ =	sdelay $0x3  }
0x8a: {  	s0 =	sadd.s32 s1, s0  }
0x8b: {  	[smem:$0x3FC1] =	sst s0  }
0x8c: {  	_ = 	snop  }
0x8d: {  	(tm) =	ssettm $0x1  }
0x8e: {  	s15 =	sld [smem:$0x3FFB];
	_ =	sdelay $0x3  }
0x8f: {  	_ =	strace s15  }
0x90: {  	s0 =	sld [smem:$0x3FFC];
	_ =	sdelay $0x3  }
0x91: {  	_ =	strace s0  }
0x92: {  	s0 =	sld [smem:$0x3FFD];
	_ =	sdelay $0x3  }
0x93: {  	_ =	strace s0  }
0x94: {  	_ =	strace $0x8FFFFFFF  }
0x95: {  	s16 =	sld [smem:$0x3FDB];
	_ =	sdelay $0x1  }
0x96: {  	s17 =	simm.s32 $_scs_section_size  }
0x97: {  	s2 =	simm.s32 $_size__tile_overlayer_lowered;
	s3 =	simm.s32 $_tile_overlayer_lowered  }
0x98: {  	s20 =	simm.s32 $0x1BFF;
	s19 =	sshll.u32 s3, $0x1;
	s0 =	sadd.s32 s17, s16  }
0x99: {  	s4 =	simm.s32 $0x0;
	s18 =	sshll.u32 s2, $0x1;
	s2 =	sadd.s32 s19, s0  }
0x9a: {  	[timem:s4], [sflag:s20] =	dma.local [hbm:s2], s18  }
0x9b: {  	_ =	swait.ge [sflag:s20], s18  }
0x9c: {  	s1 =	ssub.s32 $0x0, s18;
	[sflag:s20] =	ssyncset.done $0x0  }
0x9d: {  	[sflag:s20] =	ssyncadd.s32 s1;
	_ =	sdelay $0x1  }
0x9e: {  	s21 =	simm.s32 $0x1B8B  }
0x9f: {  	_ =	swait.ge [sflag:s21], $0x1  }
0xa0: {  	[sflag:s21] =	ssyncset.done $0x0  }
0xa1: {  	s23 =	simm.s32 $0x1B8E;
	s22 =	sld [smem:$0x3FFE];
	[sflag:s21] =	ssyncadd.s32 $0xFFFFFFFF  }
0xa2: {  	s24 =	simm.s32 $execute0_lowered;
	[smem:$0x3FD2] =	sst s23  }
0xa3: {  	s2 =	sshll.u32 s24, $0x1;
	_ =	strace $0x80000046;
	[dreg:$0x1] =	wrdreg $0xFFFFFFFF  }
0xa4: {  	s25 =	simm.s32 $_size_execute0_lowered;
	s0 =	sadd.s32 s0, s2;
	[dreg:$0x0] =	wrdreg $0x0  }
0xa5: {  	s2 =	sshll.u32 s25, $0x1;
	[dreg:$0x2] =	wrdreg s0  }
0xa6: {  	[dreg:$0x3] =	wrdreg s2  }
0xa7: {  	[dreg:$0x4] =	wrdreg $0xC0  }
0xa8: {  	_ =	task [dreg:s4], $0x5FFFF  }
0xa9: {  	[dreg:$0x1] =	wrdreg $0xFFFFFFFF  }
0xaa: {  	[dreg:$0x0] =	wrdreg $0x60  }
0xab: {  	[dreg:$0x2] =	wrdreg s22  }
0xac: {  	[dreg:$0x3] =	wrdreg $0xA  }
0xad: {  	_ =	task.clear_ibuf [dreg:s4], $0x4FFFF;
	_ =	strace $0x90000046  }
0xae: {  	s26 =	simm.s32 $0xA;
	_ =	strace $0x80000048  }
0xaf: {  	_ =	swait.ge [sflag:s26], $0x1  }
0xb0: {  	[sflag:s26] =	ssyncadd.s32 $0xFFFFFFFF  }
0xb1: {  	_ =	strace $0x90000048  }
0xb2: {  	_ =	sfence  }
0xb3: {  	s28 =	sld [smem:$0x0];
	_ =	sdelay $0x1  }
0xb4: {  	s29 =	srdreg.scid  }
0xb5: {  	s30 =	sshll.u32 s29, $0xD;
	s31 =	sshrl.u32 s29, $0x2  }
0xb6: {  	s1 =	sand.u32 $0x1, s29;
	s2 =	sand.u32 $0x4000, s30;
	s0 =	sadd.s32 s31, s28  }
0xb7: {  	s1 =	sor.u32 s2, s1;
	s0 =	sshll.u32 s0, $0x11  }
0xb8: {  	s0 =	sor.u32 s0, s1  }
0xb9: {  	s0 =	sadd.s32 $0x8F2B, s0  }
0xba: {  	[sflag:s0] =	ssyncadd.remote.s32 $0x1  }
0xbb: {  	_ =	sfence.sel $0xFFFF  }
0xbc: {  	[dreg:$0x0] =	wrdreg $0xFFFFFFFF;
	(pc) =	sbr.abs _section_cstart, $3  }
0xbd: {  	[dreg:$0x1] =	wrdreg $0xFFFFFFFF  }
0xbe: {  	_ =	task.clear_ibuf [dreg:s4], $0x2FFFF;
	_ =	strace $0x9FFFFFFF  }
0xbf: {  	(tm) =	ssettm $0x7FFFFFFF  }
tec
execute0_lowered:
.L_overlay_start_1:
0x0: {  	(tag) =	ssettag $0x1  }
0x1: {  	s0 =	rddreg [dreg:$0x0];
	_ =	strace $0x80000047;
	s2 =	simm.s32 $0x1  }
0x2: {  	v1 =	vimm.s32 $0xFFFFFFFF;
	[sflag:s2] =	ssyncpa.u1 $0x0  }
0x3: {  	[tilespmem:$0x10] =	vst v1  }
0x4: {  	v0 =	vimm.s32 $0x80000000;
	[tilespmem:$0x20] =	vst v1  }
0x5: {  	[tilespmem:$0x30] =	vst v0  }
0x6: {  	[tilespmem:$0x40] =	vst v0  }
0x7: {  	s3 =	simm.s32 $0x2;
	s30 =	stileid.u32;
	[tilespmem:$0x50] =	vst v0  }
0x8: {  	s5 =	simm.s32 $0x7;
	s7 =	simm.s32 $0x8;
	s31 =	simm.s32 $0x9;
	[tilespmem:$0x60] =	vst v1  }
0x9: {  	s14 =	simm.s32 $0x0;
	s15 =	simm.s32 $0xFF;
	p0 =	por $0x0, $0x0;
	[tilespmem:$0x70] =	vst v1  }
0xa: {  	s16 =	simm.s32 $0xFFFFC280;
	s17 =	simm.s32 $0xFFFFFFFE;
	s18 =	simm.s32 $0xF;
	[tilespmem:$0x80] =	vst v1  }
0xb: {  	s19 =	simm.s32 $0x30;
	s22 =	simm.s32 $0x0;
	s20 =	simm.s32 $0x0;
	v1 =	vimm.s32 $0x0;
	[tilespmem:$0xB0] =	vst v0  }
.Ltmp0:
0xc: {  	s1 =	sadd.s32 $0x64E00, s0;
	s4 =	sadd.s32 $0x187000, s0;
	[tilespmem:$0x90] =	vst v1;
	(pc) =	sbr.rel .LBB2_1-.Ltmp0, $4  }
0xd: {  	s6 =	smul.u32 $0x30D40, s30;
	s8 =	sadd.s32 $0x1E8C00, s0;
	[tilespmem:$0xA0] =	vst v1;
	[sflag:s3] =	ssyncpa.u1 $0x0  }
0xe: {  	s10 =	sshll.u32 s30, $0x1;
	s12 =	sshllo.u32 s30, $0x1;
	[sflag:s5] =	ssyncpa.u1 $0x0  }
0xf: {  	vm0 =	vmmov $0xffff;
	v2 =	vlaneseq.u32;
	s11 =	sor.u32 $0x81, s10;
	s13 =	sor.u32 $0x80, s10;
	[sflag:s7] =	ssyncpa.u1 $0x0  }
0x10: {  	vm1 =	vmxor vm1, vm1;
	vm2 =	vmmov $0x1;
	vm3 =	vcmask $0x3F3C;
	s9 =	sadd.s32 $0x30D40, s6;
	s21 =	smov.u32 s6;
	[sflag:s31] =	ssyncpa.u1 $0x0  }
.LBB2_10:
0x11: {  	p1 =	slt.u32 s20, $0x3  }
0x12: {  	s0 =	simm.s32 @!p1 $0x2  }
0x13: {  	_ =	swait.ge @!p1 [sflag:s0], $0x1F40  }
0x14: {  	[sflag:s0] =	ssyncset.done @!p1 $0x0  }
0x15: {  	[sflag:s0] =	ssyncadd.s32 @!p1 $0xFFFFE0C0;
	s0 =	simm.s32 @!p1 $0x9  }
0x16: {  	_ =	swait.ge @!p1 [sflag:s0], $0x10  }
0x17: {  	s3 =	sadd.s32 $0x1F40, s21;
	s20 =	sadd.s32 $0x1, s20;
	[sflag:s0] =	ssyncset.done @!p1 $0x0  }
0x18: {  	[sflag:s0] =	ssyncadd.s32 @!p1 $0xFFFFFFF0;
	p1 =	slt.s32 s3, s9;
	s0 =	smov.u32 s6  }
0x19: {  	s0 =	smov.u32 @p1 s3;
	p1 =	sne.s32 s20, $0x1C  }
.Ltmp1:
0x1a: {  	_ = 	snop;
	(pc) =	sbr.rel @!p1 .LBB2_11-.Ltmp1, $3  }
0x1b: {  	_ =	sdelay $0x1  }
0x1c: {  	s15 =	sadd.s32 $0x1, s15;
	s22 =	smov.u32 s21;
	p0 =	por !p0, !p0  }
0x1d: {  	s16 =	sadd.s32 $0x1F40, s16;
	s17 =	sadd.s32 $0x1, s17;
	s21 =	smov.u32 s0  }
.LBB2_1:
0x1e: {  	p1 =	sgt.u32 s20, $0x18  }
0x1f: {  	s0 =	smul.u32 @!p1 $0xAB, s20;
	_ =	sdelay $0x1  }
0x20: {  	s0 =	sshrl.u32 @!p1 s0, $0x9  }
0x21: {  	s0 =	sand.u32 @!p1 $0x7F, s0  }
0x22: {  	s0 =	smul.u32 @!p1 $0x3, s0;
	_ =	sdelay $0x1  }
0x23: {  	s0 =	ssub.s32 @!p1 s20, s0  }
0x24: {  	s0 =	sand.u32 @!p1 $0xFF, s0  }
0x25: {  	s0 =	smul.u32 @!p1 $0x7D00, s0;
	_ =	sdelay $0x1  }
0x26: {  	s23 =	sshrl.u32 @!p1 s21, $0x3;
	s0 =	sshrl.u32 @!p1 s0, $0x2  }
0x27: {  	s24 =	sand.u32 @!p1 $0x7, s21;
	s23 =	sadd.s32 @!p1 s4, s23;
	s0 =	sadd.s32 @!p1 $0x100, s0  }
0x28: {  	[tilespmem:s0], [sflag:$0x7] =	stream.linear.gather @!p1 [hbm4b:s23+s24], $0x1F40, $0x38;
	[tilespmem:$0x11A60] =	vst v63  }
0x29: {  	s0 =	sadd.s32 $0xFFFFFFFF, s20  }
0x2a: {  	p1 =	sgt.u32 s0, $0x18  }
.Ltmp2:
0x2b: {  	_ = 	snop;
	(pc) =	sbr.rel @p1 .LBB2_5-.Ltmp2, $1  }
0x2c: {  	_ =	sdelay $0x3  }
0x2d: {  	s23 =	smul.u32 $0xAB, s0;
	_ =	sdelay $0x1  }
0x2e: {  	s23 =	sshrl.u32 s23, $0x9  }
0x2f: {  	s23 =	sand.u32 $0x7F, s23  }
0x30: {  	s23 =	smul.u32 $0x3, s23;
	_ =	sdelay $0x1  }
0x31: {  	s23 =	ssub.s32 s0, s23  }
0x32: {  	s23 =	sand.u32 $0xFF, s23  }
0x33: {  	s23 =	smul.u32 $0x7D00, s23  }
0x34: {  	_ =	swait.ge [sflag:s5], $0x1F40  }
0x35: {  	[sflag:s5] =	ssyncset.done $0x0;
	s23 =	sshrl.u32 s23, $0x2  }
0x36: {  	[sflag:s5] =	ssyncadd.s32 $0xFFFFE0C0;
	(ifvalue) =	ssetifvalue $0xFFFFFFFF;
	v3 =	vld.msk [tilespmem:s23+$0x100 ss:$0x1], $0xffff  }
0x37: {  	s29 =	sand.u32 $0xFF, s15  }
0x38: {  	s24 =	smulhi.u32 $0x55555556, s29  }
0x39: {  	p1 =	sne.s32 s20, $0x1  }
0x3a: {  	v4 =	vimm.s32 @!p1 $0x0;
	s24 =	smul.u32 $0x17700, s24  }
0x3b: {  	s23 =	smul.u32 $0x7D00, s29;
	v4 =	vperm.xlane @!p1 v3, v4  }
0x3c: {  	s25 =	sshll.u32 s20, $0x4;
	vm4 =	vlt.u32 v3, $0x18800  }
0x3d: {  	s30 =	sand.u32 $0x10, s25;
	s23 =	ssub.s32 s23, s24;
	v3 =	vnsel vm4, $0xFFFFFFFE, v3;
	vm4 =	vlt.u32 @!p1 v4, $0x18800  }
0x3e: {  	s23 =	sshra.s32 s23, $0x2;
	[tilespmem:s30+$0x60] =	vst v3;
	v3 =	vnsel @!p1 vm4, $0xFFFFFFFE, v4  }
0x3f: {  	s26 =	sadd.s32 $0x2030, s23;
	[tilespmem:$0x80] =	vst @!p1 v3  }
0x40: {  	v3 =	vld.msk [tilespmem:s26+$0x0 ss:$0x1], $0xffff;
	_ =	sdelay $0x4  }
0x41: {  	(xrf1) =	vunique.msk.u32 $0xffff, v3;
	_ =	sdelay $0xd  }
0x42: {  	v4 =	vimm.s32 $0xFFFFFFFF;
	v5, _, _ =	vpop (xrf1)  }
0x43: {  	vm5 =	vne.s32 v3, v4;
	vm4 =	veq.s32 v5, v2  }
0x44: {  	vm6 =	vlt.u32 v3, $0x18800;
	vm4 =	vmand vm5, vm4  }
0x45: {  	vm4 =	vmand vm6, vm4  }
0x46: {  	v4 =	vnsel vm4, $0xFFFFFFFF, v3  }
0x47: {  	s31 =	sand.u32 $0x1, s0  }
0x48: {  	s23 =	simm.s32 $0x1F40;
	p1 =	seq.s32 s31, $0x1  }
0x49: {  	s23 =	simm.s32 @!p1 $0x0  }
0x4a: {  	s24 =	sadd.s32 $0x7DF0, s23;
	(ifvalue) =	ssetifvalue $0xFFFFFFFF  }
0x4b: {  	v3 =	vperm.xlane v3, v1;
	[tilespmem:s24], [sflag:$0x8] =	stream.indirect_vreg.gather [hbm4b:s1+s14], $0x1, v4, vm0, $0x4038;
	v4 =	vnsel vm6, $0xFFFFFFFE, v4;
	[tilespmem:$0x11A60] =	vst v63  }
0x4c: {  	s0 =	simm.s32 $0x0;
	s25 =	sadd.s32 $0xFFFFFFF0, s26;
	[tilespmem:s26+$0x0] =	vst v4  }
.LBB2_3:
0x4d: {  	v4 =	vld.msk [tilespmem:s25+$0x0 ss:$0x1], $0xffff;
	s0 =	sadd.s32 $0x10, s0;
	v5 =	vmov v3;
	s26 =	smov.u32 s25  }
0x4e: {  	p1 =	slt.u32 s0, $0x1F30;
	_ =	sdelay $0x4  }
0x4f: {  	v3 =	vperm.xlane v4, v1;
	(xrf1) =	vunique.msk.u32 $0xffff, v4;
	_ =	sdelay $0xd  }
0x50: {  	v6, _, _ =	vpop (xrf1)  }
0x51: {  	vm5 =	vne.s32 v4, v5;
	vm4 =	veq.s32 v6, v2  }
0x52: {  	vm6 =	vlt.u32 v4, $0x18800;
	vm4 =	vmand vm5, vm4  }
0x53: {  	vm4 =	vmand vm6, vm4  }
0x54: {  	v4 =	vnsel vm4, $0xFFFFFFFF, v4  }
.Ltmp3:
0x55: {  	v5 =	vnsel vm6, $0xFFFFFFFE, v4;
	(pc) =	sbr.rel @p1 .LBB2_3-.Ltmp3, $3  }
0x56: {  	_ =	sdelay $0x1  }
0x57: {  	s25 =	sadd.s32 $0xFFFFFFF0, s25;
	s24 =	sadd.s32 $0xFFFFFFF0, s24;
	(ifvalue) =	ssetifvalue $0xFFFFFFFF  }
0x58: {  	[tilespmem:s24], [sflag:$0x8] =	stream.indirect_vreg.gather [hbm4b:s1+s14], $0x1, v4, vm0, $0x4038;
	[tilespmem:s26+$0x0] =	vst v5  }
0x59: {  	s0 =	sshrl.u32 s22, $0x3  }
0x5a: {  	s31 =	sadd.s32 $0x9D40, s23;
	s0 =	sadd.s32 s8, s0  }
0x5b: {  	[tilespmem:s31], [sflag:$0x8] =	stream.linear.gather [hbm:s0], $0x1F40, $0x38;
	[tilespmem:$0x11A60] =	vst v63  }
.LBB2_5:
0x5c: {  	p1 =	sgt.u32 s20, $0x1B  }
.Ltmp4:
0x5d: {  	_ = 	snop;
	(pc) =	sbr.rel @p1 .LBB2_7-.Ltmp4, $1  }
0x5e: {  	_ =	sdelay $0x3  }
0x5f: {  	s0 =	sshll.u32 s2, s20  }
0x60: {  	s0 =	sand.u32 $0x8000003, s0  }
0x61: {  	p1 =	sne.s32 s0, $0x0  }
.Ltmp5:
0x62: {  	_ = 	snop;
	(pc) =	sbr.rel @p1 .LBB2_10-.Ltmp5, $1  }
0x63: {  	_ =	sdelay $0x3  }
.LBB2_7:
0x64: {  	s0 =	sadd.s32 $0xFFFFFFFE, s20  }
0x65: {  	s22 =	smulhi.u32 $0xAAAAAAAB, s0;
	_ =	sdelay $0x1  }
0x66: {  	s22 =	sshrl.u32 s22, $0x1  }
0x67: {  	s22 =	smul.u32 $0x3, s22;
	_ =	sdelay $0x1  }
0x68: {  	s0 =	ssub.s32 s0, s22  }
0x69: {  	_ =	swait.ge [sflag:s7], $0x3E80;
	s0 =	smul.u32 $0x1F40, s0  }
0x6a: {  	p1 =	sne.s32 s20, $0x1A;
	[sflag:s7] =	ssyncset.done $0x0  }
0x6b: {  	[sflag:s7] =	ssyncadd.s32 $0xFFFFC180;
	s22 =	sadd.s32 @!p1 $0x203F, s0  }
0x6c: {  	[spmem:s11] =	stream.linear.scatter @!p1 [tilespmem:s22], [sflag:$0x1], $0x1, $0x38;
	[tilespmem:$0x11A60] =	vst v63  }
0x6d: {  	s22 =	simm.s32 @!p1 $0x1  }
0x6e: {  	_ =	swait.ge @!p1 [sflag:s22], $0x1  }
0x6f: {  	s23 =	sshll.u32 s20, $0x4;
	[sflag:s22] =	ssyncset.done @!p1 $0x0  }
0x70: {  	[sflag:s22] =	ssyncadd.s32 @!p1 $0xFFFFFFFF;
	s22 =	sand.u32 $0x10, s23  }
0x71: {  	v4 =	vld [tilespmem:s22+$0x10];
	s26 =	sxor.u32 $0x10, s22  }
0x72: {  	v5 =	vld [tilespmem:s26+$0x60]  }
0x73: {  	v3 =	vld [tilespmem:$0x80];
	_ =	sdelay $0x2  }
0x74: {  	(v2sf) =	vpush v4, $0x0  }
0x75: {  	(v2sf) =	vpush v5, $0x0  }
0x76: {  	(v2sf) =	vpush v3, $0x0;
	_ =	sdelay $0xc  }
0x77: {  	s3 =	spop (v2sf)  }
0x78: {  	s25 =	spop (v2sf)  }
0x79: {  	s24 =	spop (v2sf)  }
0x7a: {  	p3 =	seq.s32 s3, s25;
	p2 =	seq.s32 s24, s3  }
0x7b: {  	p2 =	por p3, p2  }
0x7c: {  	s3 =	sand.u32 $0x1, s20;
	v4 =	vpsel p2, $0xFFFFFFFF, v4  }
0x7d: {  	s25 =	smul.u32 $0x1F40, s3;
	[tilespmem:s22+$0x10] =	vst.msk $0x1, v4  }
0x7e: {  	v4 =	vld [tilespmem:$0x30]  }
0x7f: {  	v5 =	vld [tilespmem:s25+$0x9D40]  }
0x80: {  	v6 =	vld [tilespmem:s22+$0x40];
	_ =	sdelay $0x3  }
0x81: {  	vm4 =	vmmov vm1;
	vm6 =	vmmov vm2;
	vm5 =	vgt.s32 v4, v5  }
0x82: {  	vm4 =	vmmov @p3 vm2;
	s23 =	sshll.u32 s3, $0x4;
	v5 =	vsel vm5, v4, v5;
	vm5 =	vgt.s32 v4, v6  }
0x83: {  	vm6 =	vmmov @p2 vm1;
	s23 =	sor.u32 $0x11A40, s23;
	v4 =	vsel vm5, v4, v6;
	[tilespmem:s25+$0x9D40] =	vst.msk vm4, v5  }
0x84: {  	[tilespmem:s23+$0x0] =	vst.msk vm6, v4  }
0x85: {  	v4 =	vld [tilespmem:s25+$0x7DF0];
	_ =	sdelay $0x4  }
0x86: {  	v4 =	vshift.insert v4, v1, s18  }
0x87: {  	s28 =	sor.u32 $0x40, s26  }
0x88: {  	v5 =	vimm.s32 $0x80000000;
	[tilespmem:s28+$0x0] =	vst.msk $0x1, v4  }
0x89: {  	[tilespmem:s25+$0x7DFF] =	vst.msk $0x1, v5  }
0x8a: {  	v4 =	vld [tilespmem:s0+$0x2030];
	_ =	sdelay $0x1  }
0x8b: {  	s0 =	simm.s32 $0x1  }
0x8c: {  	s28 =	smulhi.u32 $0xAAAAAAAB, s17;
	s0 =	simm.s32 @!p0 $0x0  }
0x8d: {  	s0 =	smul.u32 $0x7D00, s0  }
0x8e: {  	s28 =	sshrl.u32 s28, $0x1;
	v4 =	vshift.insert v4, v1, s18  }
0x8f: {  	s28 =	smul.u32 $0xFFFE8900, s28;
	s0 =	sshrl.u32 s0, $0x2  }
0x90: {  	s29 =	sadd.s32 $0x9D40, s0;
	[tilespmem:s26+$0x10] =	vst.msk $0x1, v4  }
0x91: {  	s3 =	sshra.s32 s28, $0x2;
	v6 =	vld [tilespmem:s29+$0x0]  }
0x92: {  	s30 =	sadd.s32 s3, s16  }
0x93: {  	v7 =	vld [tilespmem:s30+$0x0];
	_ =	sdelay $0x2  }
0x94: {  	vm4 =	vgt.s32 v6, v5  }
0x95: {  	v5 =	vsel vm4, v6, v5  }
0x96: {  	vm4 =	vne.s32 v7, $0xFFFFFFFF;
	v5 =	vxor.u32 $0x80000000, v5  }
0x97: {  	(xrf0) =	vmax.seg.scan.u32 vm4, v5  }
0x98: {  	s3 =	sadd.s32 $0x5EC0, s0  }
0x99: {  	v8 =	vld [tilespmem:s3+$0x0]  }
0x9a: {  	v6 =	vld [tilespmem:$0xA0];
	_ =	sdelay $0x2  }
0x9b: {  	v5 =	vperm.xlane v4, v1;
	v9, _, _ =	vpop (xrf0)  }
0x9c: {  	vm6 =	veq.s32 v7, v3;
	v9 =	vxor.u32 $0x80000000, v9  }
0x9d: {  	vm8 =	veq.s32 v7, v5;
	vm5 =	veq.s32 v6, $0x1;
	vm7 =	vgt.s32 v9, v8  }
0x9e: {  	vm8 =	vmor vm8, vm6;
	v6 =	vsel vm7, v9, v8;
	vm7 =	vgt.u32 v7, $0xFFFFFFFD  }
0x9f: {  	v10 =	vld [tilespmem:$0x90];
	vm9 =	vmand vm4, vm3;
	vm4 =	vmor vm5, vm6;
	vm5 =	vmor vm8, vm7  }
0xa0: {  	v8 =	vsel vm5, $0xFFFFFFFF, v7;
	_ =	sdelay $0x1  }
0xa1: {  	s28 =	simm.s32 $0x0  }
0xa2: {  	s26 =	sadd.s32 $0xDBC0, s0;
	s0 =	sadd.s32 $0x10, s3;
	s29 =	sadd.s32 $0x10, s29;
	v11 =	vsel vm9, $0x80000000, v9;
	v6 =	vsel vm6, v9, v6  }
0xa3: {  	s30 =	sadd.s32 $0x10, s30;
	s31 =	sadd.s32 $0x10, s26;
	[tilespmem:s26+$0x0] =	vst v6;
	v6 =	vsel vm6, v9, v10;
	v7 =	vshift.insert v11, v0, s18;
	(ifvalue) =	ssetifvalue $0xFFFFFFFF  }
.LBB2_8:
0xa4: {  	[hbm4b:s1+s14] =	stream.indirect_vreg.scatter [tilespmem:s26], [sflag:$0x2], $0x1, v8, vm0, $0x4038;
	[tilespmem:$0x11A60] =	vst v63  }
0xa5: {  	s28 =	sadd.s32 $0x10, s28;
	s26 =	smov.u32 s31;
	v8 =	vld [tilespmem:s29+$0x0]  }
0xa6: {  	p2 =	slt.u32 s28, $0x1F30  }
0xa7: {  	v9 =	vld [tilespmem:s30+$0x0];
	_ =	sdelay $0x2  }
0xa8: {  	vm5 =	vgt.s32 v8, v7  }
0xa9: {  	v7 =	vsel vm5, v8, v7  }
0xaa: {  	vm5 =	vne.s32 v9, $0xFFFFFFFF;
	v7 =	vxor.u32 $0x80000000, v7  }
0xab: {  	(xrf0) =	vmax.seg.scan.u32 vm5, v7;
	_ =	sdelay $0x2  }
0xac: {  	v7 =	vld [tilespmem:s0+$0x0];
	_ =	sdelay $0x1  }
0xad: {  	vm6 =	veq.s32 v9, v3;
	vm7 =	veq.s32 v9, v5  }
0xae: {  	vm8 =	vgt.u32 v9, $0xFFFFFFFD;
	vm4 =	vmor vm4, vm6;
	vm7 =	vmor vm7, vm6;
	v8, _, _ =	vpop (xrf0)  }
0xaf: {  	vm5 =	vmand vm5, vm3;
	vm7 =	vmor vm7, vm8;
	v10 =	vxor.u32 $0x80000000, v8  }
.Ltmp6:
0xb0: {  	v8 =	vsel vm7, $0xFFFFFFFF, v9;
	vm7 =	vgt.s32 v10, v7;
	v9 =	vsel vm5, $0x80000000, v10;
	(pc) =	sbr.rel @p2 .LBB2_8-.Ltmp6, $4  }
0xb1: {  	v6 =	vsel vm6, v10, v6;
	v11 =	vsel vm7, v10, v7;
	v7 =	vshift.insert v9, v0, s18  }
0xb2: {  	v9 =	vsel vm6, v10, v11  }
0xb3: {  	s29 =	sadd.s32 $0x10, s29;
	s30 =	sadd.s32 $0x10, s30;
	[tilespmem:s31+$0x0] =	vst v9  }
0xb4: {  	s0 =	sadd.s32 $0x10, s0;
	s31 =	sadd.s32 $0x10, s31;
	(ifvalue) =	ssetifvalue $0xFFFFFFFF  }
0xb5: {  	_ =	sdelay $0x3  }
0xb6: {  	[hbm4b:s1+s14] =	stream.indirect_vreg.scatter [tilespmem:s26], [sflag:$0x2], $0x1, v8, vm0, $0x4038;
	[tilespmem:$0x11A60] =	vst v63  }
0xb7: {  	v3 =	vld [tilespmem:s25+$0xFAF0];
	_ =	sdelay $0x4  }
0xb8: {  	v3 =	vshift.insert v3, v1, s18;
	_ =	sdelay $0x1  }
0xb9: {  	[tilespmem:s19+$0x0] =	vst.msk $0x1, v3  }
0xba: {  	v3 =	vsel vm4, $0x1, v1;
	[tilespmem:$0x90] =	vst v6  }
0xbb: {  	s0 =	sadd.s32 @!p1 $0xFAFF, s25;
	[tilespmem:$0xA0] =	vst v3  }
0xbc: {  	[spmem:s12] =	stream.linear.scatter @!p1 [tilespmem:s0], [sflag:$0x1], $0x1, $0x38;
	[tilespmem:$0x11A60] =	vst v63  }
0xbd: {  	s0 =	simm.s32 @!p1 $0x1  }
0xbe: {  	v3 =	vmctz.xlane @!p1 vm4;
	_ =	swait.ge @!p1 [sflag:s0], $0x1  }
0xbf: {  	(v2sf) =	vpush @!p1 v4, $0x0  }
0xc0: {  	(v2sf) =	vpush @!p1 v3, $0x0;
	_ =	sdelay $0xd  }
0xc1: {  	s3 =	spop @!p1 (v2sf)  }
0xc2: {  	s25 =	spop @!p1 (v2sf)  }
0xc3: {  	p2 =	sne.s32 @!p1 s24, s3;
	p3 =	slt.s32 @!p1 s25, $0xF  }
0xc4: {  	[sflag:s0] =	ssyncset.done @!p1 $0x0;
	p2 =	por p2, p1;
	p3 =	por !p3, p1  }
0xc5: {  	[sflag:s0] =	ssyncadd.s32 @!p1 $0xFFFFFFFF;
	v3 =	vimm.s32 @!p2 $0xFFFFFFFF;
	s25 =	simm.s32 @p3 $0xF  }
0xc6: {  	[tilespmem:$0x80] =	vst @!p2 v3;
	s3 =	sadd.s32 @!p1 $0x90, s25  }
0xc7: {  	[spmem:s10] =	stream.linear.scatter @!p1 [tilespmem:s3], [sflag:$0x1], $0x1, $0x38;
	[tilespmem:$0x11A60] =	vst v63  }
0xc8: {  	_ =	swait.ge @!p1 [sflag:s0], $0x1  }
0xc9: {  	[sflag:s0] =	ssyncset.done @!p1 $0x0  }
0xca: {  	s3 =	simm.s32 @!p1 $0x80;
	[sflag:s0] =	ssyncadd.s32 @!p1 $0xFFFFFFFF  }
0xcb: {  	[spmem:s13] =	stream.linear.scatter @!p1 [tilespmem:s3], [sflag:$0x1], $0x1, $0x38;
	[tilespmem:$0x11A60] =	vst v63  }
0xcc: {  	_ =	swait.ge @!p1 [sflag:s0], $0x1  }
0xcd: {  	[sflag:s0] =	ssyncset.done @!p1 $0x0  }
0xce: {  	[sflag:s0] =	ssyncadd.s32 @!p1 $0xFFFFFFFF;
	(ifvalue) =	ssetifvalue $0xFFFFFFFF;
	v3 =	vld [tilespmem:s22+$0x10];
	_ =	sdelay $0x3  }
.Ltmp7:
0xcf: {  	_ = 	snop;
	(pc) =	sbr.rel .LBB2_10-.Ltmp7, $3  }
0xd0: {  	_ =	sdelay $0x1  }
0xd1: {  	(ifvalue) =	ssetifvalue $0xFFFFFFFF  }
0xd2: {  	[hbm4b:s1+s14] =	stream.indirect_vreg.scatter [tilespmem:s23], [sflag:$0x9], $0x1, v3, vm0, $0x4038;
	[tilespmem:$0x11A60] =	vst v63  }
.LBB2_11:
0xd3: {  	_ =	sfence.sel $0x180000  }
0xd4: {  	s0 =	simm.s32 $0x7;
	[bflag:$0x0] =	sbarrier.arrive $0xFFFF  }
0xd5: {  	s26 =	simm.s32 $0x8;
	[sflag:s0] =	ssyncpa.u1 $0x1  }
0xd6: {  	s28 =	simm.s32 $0x9;
	[sflag:s26] =	ssyncpa.u1 $0x1  }
0xd7: {  	[sflag:s28] =	ssyncpa.u1 $0x1  }
0xd8: {  	_ =	sfence.stream.spmem  }
0xd9: {  	s29 =	simm.s32 $0x3;
	[bflag:$0x0] =	sbarrier.arrive $0xFFFF  }
0xda: {  	s30 =	simm.s32 $0x4;
	[sflag:s29] =	ssyncpa.u1 $0x1  }
0xdb: {  	s31 =	simm.s32 $0x3C;
	s2 =	stileid.u32;
	[sflag:s30] =	ssyncpa.u1 $0x1  }
0xdc: {  	p0 =	sne.s32 s2, $0x0;
	[sflag:s31] =	ssyncpa.u1 $0x1  }
0xdd: {  	s0 =	simm.s32 @p0 $0x1;
	_ =	sfence @p0  }
0xde: {  	[sflag:s0] =	ssyncpa.u1 @p0 $0x1;
	s0 =	simm.s32 @p0 $0x2  }
0xdf: {  	[sflag:s0] =	ssyncpa.u1 @p0 $0x1  }
0xe0: {  	_ =	strace @p0 $0x90000047  }
0xe1: {  	[bflag:$0x2] =	sbarrier.arrive @p0 $0xFFFF  }
0xe2: {  	_ =	shalt @p0  }
.LBB2_12:
0xe3: {  	_ =	sfence.stream.spmem;
	s0 =	simm.s32 $0x5  }
0xe4: {  	s2 =	simm.s32 $0x80;
	s3 =	simm.s32 $0xC0;
	[sflag:s0] =	ssyncpa.u1 $0x0  }
0xe5: {  	[tilespmem:s3], [sflag:$0x5] =	stream.linear.gather [spmem:s2], $0x20, $0x38;
	[tilespmem:$0x11A60] =	vst v63  }
0xe6: {  	s30 =	simm.s32 $0xE0;
	s2 =	simm.s32 $0x0  }
0xe7: {  	[tilespmem:s30], [sflag:$0x5] =	stream.linear.gather [spmem:s2], $0x20, $0x38;
	[tilespmem:$0x11A60] =	vst v63  }
.Ltmp8:
0xe8: {  	_ = 	snop;
	(pc) =	sbr.rel .LBB2_13-.Ltmp8, $4  }
0xe9: {  	_ =	swait.ge [sflag:s0], $0x40  }
0xea: {  	[sflag:s0] =	ssyncset.done $0x0  }
0xeb: {  	s31 =	simm.s32 $0x6;
	[sflag:s0] =	ssyncadd.s32 $0xFFFFFFC0  }
0xec: {  	s3 =	simm.s32 $0x0;
	[sflag:s31] =	ssyncpa.u1 $0x0  }
.LBB2_18:
0xed: {  	p0 =	sgt.u32 s4, $0x187FF  }
0xee: {  	s0 =	sshrl.u32 @!p0 s4, $0x3  }
0xef: {  	s4 =	sand.u32 @!p0 $0x7, s4;
	s5 =	simm.s32 @!p0 $0xB0;
	s0 =	sadd.s32 @!p0 s1, s0  }
0xf0: {  	[tilespmem:s5], [sflag:$0x6] =	stream.linear.gather @!p0 [hbm4b:s0+s4], $0x1, $0x38;
	[tilespmem:$0x11A60] =	vst v63  }
0xf1: {  	s0 =	simm.s32 @!p0 $0x6  }
0xf2: {  	_ =	swait.ge @!p0 [sflag:s0], $0x1  }
0xf3: {  	[sflag:s0] =	ssyncset.done @!p0 $0x0  }
0xf4: {  	[sflag:s0] =	ssyncadd.s32 @!p0 $0xFFFFFFFF  }
0xf5: {  	v1 =	vld.msk @!p0 [tilespmem:$0xB0], $0x1  }
0xf6: {  	v2 =	vld.msk @!p0 [tilespmem:s3+$0xE0], $0x1;
	_ =	sdelay $0x4  }
0xf7: {  	vm0 =	vgt.s32 @!p0 v2, v1  }
0xf8: {  	v1 =	vsel @!p0 vm0, v2, v1  }
0xf9: {  	[tilespmem:s3+$0xE0] =	vst.msk @!p0 $0x1, v1  }
0xfa: {  	[tilespmem:s2+$0xC0] =	vst.msk $0x1, v0  }
0xfb: {  	v0 =	vld.msk [tilespmem:s3+$0xE0], $0x1;
	_ =	sdelay $0x4  }
0xfc: {  	[tilespmem:s2+$0xE0] =	vst.msk $0x1, v0;
	s2 =	sadd.s32 $0x1, s2  }
.LBB2_20:
0xfd: {  	s3 =	sadd.s32 $0x1, s3  }
0xfe: {  	p0 =	sne.s32 s3, $0x20  }
.Ltmp9:
0xff: {  	_ = 	snop;
	(pc) =	sbr.rel @!p0 .LBB2_21-.Ltmp9, $1  }
0x100: {  	_ =	sdelay $0x3  }
.LBB2_13:
0x101: {  	v0 =	vld.msk [tilespmem:s3+$0xC0], $0x1;
	_ =	sdelay $0x4  }
0x102: {  	(v2sf) =	vpush v0, $0x0;
	_ =	sdelay $0xe  }
0x103: {  	s4 =	spop (v2sf)  }
0x104: {  	p0 =	seq.s32 s4, $0xFFFFFFFF  }
.Ltmp10:
0x105: {  	_ = 	snop;
	(pc) =	sbr.rel @p0 .LBB2_20-.Ltmp10, $1  }
0x106: {  	_ =	sdelay $0x3  }
0x107: {  	p0 =	slt.s32 s2, $0x1  }
.Ltmp11:
0x108: {  	_ = 	snop;
	(pc) =	sbr.rel @p0 .LBB2_18-.Ltmp11, $1  }
0x109: {  	_ =	sdelay $0x3  }
0x10a: {  	s0 =	simm.s32 $0xC0;
	p0 =	por $0x0, $0x0  }
0x10b: {  	v1 =	vld.msk @!p0 [tilespmem:s0+$0x0], $0x1;
	_ =	sdelay $0x4  }
0x10c: {  	(v2sf) =	vpush @!p0 v1, $0x0;
	_ =	sdelay $0xd  }
0x10d: {  	p2 =	sne.s32 s2, $0x1  }
.Ltmp12:
0x10e: {  	s5 =	spop @!p0 (v2sf);
	(pc) =	sbr.rel @!p2 .LBB2_17-.Ltmp12, $4  }
0x10f: {  	p1 =	seq.s32 @!p0 s4, s5  }
0x110: {  	s5 =	simm.s32 $0x0;
	p1 =	por !p1, p0  }
0x111: {  	s7 =	simm.s32 $0xFFFFFFFF;
	s5 =	simm.s32 @p1 $0xFFFFFFFF  }
0x112: {  	s6 =	simm.s32 $0x1;
	s5 =	smov.u32 @p0 s7  }
.LBB2_16:
0x113: {  	s7 =	smov.u32 s5;
	p0 =	sne.s32 s5, $0xFFFFFFFF  }
0x114: {  	s0 =	sadd.s32 $0x1, s0;
	s5 =	smov.u32 s6;
	s6 =	sadd.s32 $0x1, s6  }
0x115: {  	p1 =	sne.s32 s2, s6;
	v1 =	vld.msk @!p0 [tilespmem:s0+$0x0], $0x1;
	_ =	sdelay $0x4  }
0x116: {  	(v2sf) =	vpush @!p0 v1, $0x0;
	_ =	sdelay $0xe  }
.Ltmp13:
0x117: {  	s8 =	spop @!p0 (v2sf);
	(pc) =	sbr.rel @p1 .LBB2_16-.Ltmp13, $4  }
0x118: {  	p2 =	seq.s32 @!p0 s4, s8  }
0x119: {  	p2 =	por !p2, p0  }
0x11a: {  	s5 =	simm.s32 @p2 $0xFFFFFFFF  }
0x11b: {  	s5 =	smov.u32 @p0 s7  }
.LBB2_17:
0x11c: {  	p0 =	sne.s32 s5, $0xFFFFFFFF  }
.Ltmp14:
0x11d: {  	_ = 	snop;
	(pc) =	sbr.rel @!p0 .LBB2_18-.Ltmp14, $1  }
0x11e: {  	_ =	sdelay $0x3  }
0x11f: {  	v0 =	vld.msk [tilespmem:s3+$0xE0], $0x1  }
0x120: {  	v1 =	vld.msk [tilespmem:s5+$0xE0], $0x1;
	_ =	sdelay $0x2  }
.Ltmp15:
0x121: {  	_ = 	snop;
	(pc) =	sbr.rel .LBB2_20-.Ltmp15, $4  }
0x122: {  	_ = 	snop  }
0x123: {  	vm0 =	vgt.s32 v1, v0  }
0x124: {  	v0 =	vsel vm0, v1, v0  }
0x125: {  	[tilespmem:s5+$0xE0] =	vst.msk $0x1, v0  }
.LBB2_21:
0x126: {  	p0 =	slt.s32 s2, $0x1  }
.Ltmp16:
0x127: {  	_ = 	snop;
	(pc) =	sbr.rel @p0 .LBB2_25-.Ltmp16, $3  }
0x128: {  	_ =	sdelay $0x1  }
0x129: {  	s0 =	simm.s32 $0x6  }
0x12a: {  	s3 =	simm.s32 $0x0;
	[sflag:s0] =	ssyncpa.u1 $0x1  }
0x12b: {  	s0 =	simm.s32 $0xC0  }
0x12c: {  	v0 =	vld.msk [tilespmem:s0+$0x0], $0x1;
	_ =	sdelay $0x4  }
0x12d: {  	(v2sf) =	vpush v0, $0x0;
	_ =	sdelay $0xe  }
0x12e: {  	s2 =	sadd.s32 $0xFFFFFFFF, s2;
	s4 =	spop (v2sf)  }
0x12f: {  	p1 =	sne.s32 s2, $0x0;
	p0 =	sgt.u32 s4, $0x187FF  }
.Ltmp17:
0x130: {  	s5 =	sshrl.u32 @!p0 s4, $0x3;
	(pc) =	sbr.rel @!p1 .LBB2_24-.Ltmp17, $4  }
0x131: {  	s0 =	simm.s32 $0xE0;
	s4 =	sand.u32 @!p0 $0x7, s4;
	s5 =	sadd.s32 @!p0 s1, s5  }
0x132: {  	[hbm4b:s5+s4] =	stream.linear.scatter @!p0 [tilespmem:s0], [sflag:$0x5], $0x1, $0x38;
	[tilespmem:$0x11A60] =	vst v63  }
0x133: {  	s5 =	simm.s32 $0x0  }
0x134: {  	s4 =	simm.s32 $0xC1;
	s5 =	simm.s32 @!p0 $0x4  }
.LBB2_23:
0x135: {  	v0 =	vld.msk [tilespmem:s4+$0x0], $0x1;
	s2 =	sadd.s32 $0xFFFFFFFF, s2;
	s3 =	sadd.s32 s3, s5  }
0x136: {  	p0 =	sne.s32 s2, $0x0;
	_ =	sdelay $0x3  }
0x137: {  	(v2sf) =	vpush v0, $0x0;
	_ =	sdelay $0xe  }
.Ltmp18:
0x138: {  	s6 =	spop (v2sf);
	(pc) =	sbr.rel @p0 .LBB2_23-.Ltmp18, $4  }
0x139: {  	s5 =	simm.s32 $0x0;
	p1 =	sgt.u32 s6, $0x187FF  }
0x13a: {  	s0 =	sadd.s32 $0x1, s0;
	s5 =	simm.s32 @!p1 $0x4;
	s7 =	sshrl.u32 @!p1 s6, $0x3  }
0x13b: {  	s4 =	sadd.s32 $0x1, s4;
	s6 =	sand.u32 @!p1 $0x7, s6;
	s7 =	sadd.s32 @!p1 s1, s7  }
0x13c: {  	[hbm4b:s7+s6] =	stream.linear.scatter @!p1 [tilespmem:s0], [sflag:$0x5], $0x1, $0x38;
	[tilespmem:$0x11A60] =	vst v63  }
.LBB2_24:
0x13d: {  	s0 =	sadd.s32 s3, s5  }
0x13e: {  	s3 =	sshrl.u32 s0, $0x2  }
.LBB2_25:
0x13f: {  	s0 =	simm.s32 $0x5  }
0x140: {  	_ =	swait.ge [sflag:s0], s3  }
0x141: {  	s1 =	ssub.s32 $0x0, s3;
	[sflag:s0] =	ssyncset.done $0x0  }
0x142: {  	[sflag:s0] =	ssyncadd.s32 s1  }
0x143: {  	[sflag:s0] =	ssyncpa.u1 $0x1  }
0x144: {  	s29 =	simm.s32 $0x1;
	_ =	sfence  }
0x145: {  	s30 =	simm.s32 $0x2;
	[sflag:s29] =	ssyncpa.u1 $0x1  }
0x146: {  	[sflag:s30] =	ssyncpa.u1 $0x1  }
0x147: {  	_ =	strace $0x90000047  }
0x148: {  	[bflag:$0x2] =	sbarrier.arrive $0xFFFF  }
0x149: {  	s31 =	rddreg [dreg:$0x1]  }
0x14a: {  	s0 =	sadd.s32 $0x100000, s31  }
0x14b: {  	[sflag:s0] =	ssyncadd.tile.s32 $0x1;
	_ =	shalt  }
.Lfunc_end2:
_tile_overlayer_lowered:
.L_overlay_start_2:
0x14c: {  	(tag) =	ssettag $0x2  }
0x14d: {  	s0 =	rddreg [dreg:$0x0];
	s2 =	stileid.u32  }
0x14e: {  	s1 =	rddreg [dreg:$0x1];
	p0 =	sne.s32 s2, $0x0  }
0x14f: {  	s3 =	rddreg [dreg:$0x2];
	[bflag:$0x3] =	sbarrier.arrive $0xFFFF;
	s2 =	simm.s32 @!p0 $0x1C01  }
0x150: {  	[timem:s3], [sflag:s2] =	dma.local @!p0 [hbm:s0], s1  }
0x151: {  	s0 =	simm.s32 @!p0 $0x1  }
0x152: {  	_ =	swait.ge @!p0 [sflag:s0], s1  }
0x153: {  	s1 =	ssub.s32 @!p0 $0x0, s1;
	[sflag:s0] =	ssyncset.done @!p0 $0x0  }
0x154: {  	[sflag:s0] =	ssyncadd.s32 @!p0 s1  }
0x155: {  	[bflag:$0x3] =	sbarrier.arrive $0xFFFF  }
0x156: {  	_ =	shalt  }

</sc_bundles>
